<compile_context>
chip_gen: v7x
topology: tpu7x:2x2x1
jax: 0.10.2.dev20260603
libtpu: 0.0.44.dev20260713+nightly
codegen_flags: <defaults>
</compile_context>

<pallas_src>
import functools
import jax
import jax.numpy as jnp
from jax import lax
from jax.experimental import pallas as pl
from jax.experimental.pallas import tpu as pltpu
from jax.experimental.pallas import tpu_sc as plsc

D_EMB = 64
NC = 2
NS = 16
NW = NC * NS
XR = 4
SPLITS = ((0, 128), (128, 72))


def _body(nchunks, ncols, x_hbm, table_hbm, out_hbm,
          idx0, idx1, rows0, rows1,
          gsem0, gsem1, wsem0, wsem1, isem0, isem1):
    wid = lax.axis_index("s") * NC + lax.axis_index("c")
    row_base = wid * (nchunks * XR)
    last = nchunks - 1

    def fire_gathers(idx_v, rows_v, sem):
        for r in range(XR):
            for off, ln in SPLITS:
                pltpu.async_copy(table_hbm.at[idx_v.at[r, pl.ds(off, ln)]],
                                 rows_v.at[r, pl.ds(off, ln)], sem)

    def wait_gathers(idx_v, rows_v, sem):
        for r in range(XR):
            for off, ln in SPLITS:
                pltpu.make_async_copy(table_hbm.at[idx_v.at[r, pl.ds(off, ln)]],
                                      rows_v.at[r, pl.ds(off, ln)], sem).wait()

    def fire_idx(g, idx_v, sem):
        pltpu.async_copy(x_hbm.at[pl.ds(row_base + g * XR, XR)], idx_v, sem)

    def wait_idx(idx_v, sem):
        pltpu.make_async_copy(x_hbm.at[pl.ds(0, XR)], idx_v, sem).wait()

    def fire_write(g, rows_v, sem):
        pltpu.async_copy(rows_v,
                         out_hbm.at[pl.ds(row_base + g * XR, XR), :, pl.ds(0, 64)],
                         sem)

    def wait_write(rows_v, sem):
        pltpu.make_async_copy(rows_v,
                              out_hbm.at[pl.ds(0, XR), :, pl.ds(0, 64)],
                              sem).wait()

    pltpu.sync_copy(x_hbm.at[pl.ds(row_base, XR)], idx0)
    fire_gathers(idx0, rows0, gsem0)
    fire_idx(1, idx1, isem1)
    wait_idx(idx1, isem1)
    fire_gathers(idx1, rows1, gsem1)
    wait_gathers(idx0, rows0, gsem0)
    fire_write(0, rows0, wsem0)
    fire_idx(2, idx0, isem0)

    def body(o, carry):
        g = 2 * o
        wait_write(rows0, wsem0)
        wait_idx(idx0, isem0)
        fire_gathers(idx0, rows0, gsem0)
        wait_gathers(idx1, rows1, gsem1)
        fire_write(g - 1, rows1, wsem1)
        fire_idx(jnp.minimum(g + 1, last), idx1, isem1)
        wait_write(rows1, wsem1)
        wait_idx(idx1, isem1)
        fire_gathers(idx1, rows1, gsem1)
        wait_gathers(idx0, rows0, gsem0)
        fire_write(g, rows0, wsem0)
        fire_idx(jnp.minimum(g + 2, last), idx0, isem0)
        return carry

    lax.fori_loop(1, nchunks // 2, body, 0)

    wait_write(rows0, wsem0)
    wait_gathers(idx1, rows1, gsem1)
    fire_write(last, rows1, wsem1)
    wait_idx(idx0, isem0)
    wait_write(rows1, wsem1)


def kernel(x, table):
    B0, S = x.shape
    assert S == 200 and B0 % (NW * XR) == 0
    nchunks = B0 // (NW * XR)
    assert nchunks >= 2 and nchunks % 2 == 0

    mesh = plsc.VectorSubcoreMesh(core_axis_name="c", subcore_axis_name="s")
    run = pl.kernel(
        functools.partial(_body, nchunks, S),
        mesh=mesh,
        compiler_params=pltpu.CompilerParams(use_tc_tiling_on_sc=False),
        out_type=jax.ShapeDtypeStruct((B0, S, 2 * D_EMB), jnp.float32),
        scratch_types=[
            pltpu.VMEM((XR, S), jnp.int32),
            pltpu.VMEM((XR, S), jnp.int32),
            pltpu.VMEM((XR, S, D_EMB), jnp.float32),
            pltpu.VMEM((XR, S, D_EMB), jnp.float32),
            pltpu.SemaphoreType.DMA,
            pltpu.SemaphoreType.DMA,
            pltpu.SemaphoreType.DMA,
            pltpu.SemaphoreType.DMA,
            pltpu.SemaphoreType.DMA,
            pltpu.SemaphoreType.DMA,
        ],
    )
    out_p = run(x, table)
    return out_p[:, :, :64]

# --- scband reference (transcript-rebuilt; emitter-appended) ---
"""Pipeline reference for scband-embedder-15109694948030 (READ-ONLY COPY).

The authoritative reference and input builder live on the scoring server;
editing this copy changes nothing except your own understanding.
"""

import jax, jax.numpy as jnp
import numpy as np

DICT_SIZE = 1000000
D_EMBED = 64

def setup_inputs(seed: int = 0) -> dict:
    key = jax.random.key(seed)
    k_idx, k_tab = jax.random.split(key)
    x = jax.random.randint(k_idx, (16384, 200), 0, DICT_SIZE, dtype=jnp.int64 if jax.config.jax_enable_x64 else jnp.int32)
    table = jax.random.normal(k_tab, (DICT_SIZE, D_EMBED), dtype=jnp.float32)
    return {"x": x, "table": table}

def reference(x, table):
    # nn.Embedding forward: gather rows of the table by index
    out = jnp.take(table, x, axis=0)
    return out

if __name__ == "__main__":
    import jax
    _d = setup_inputs()
    print(jax.jit(kernel)(*tuple(_d.values())))

</pallas_src>

<mosaic_0001>
#map = affine_map<(d0, d1) -> (0, 0)>
#map1 = affine_map<(d0, d1) -> (0, 0, 0)>
module attributes {stable_mosaic.version = 14 : i64} {
  func.func @_body(%arg0: i32, %arg1: i32, %arg2: memref<16384x200xi32, #tpu.memory_space<hbm>>, %arg3: memref<1000000x64xf32, #tpu.memory_space<hbm>>, %arg4: memref<16384x200x128xf32, #tpu.memory_space<hbm>>, %arg5: memref<4x200xi32, #tpu.memory_space<vmem>>, %arg6: memref<4x200xi32, #tpu.memory_space<vmem>>, %arg7: memref<4x200x64xf32, #tpu.memory_space<vmem>>, %arg8: memref<4x200x64xf32, #tpu.memory_space<vmem>>, %arg9: memref<!tpu.dma_semaphore, #tpu.memory_space<semaphore_mem>>, %arg10: memref<!tpu.dma_semaphore, #tpu.memory_space<semaphore_mem>>, %arg11: memref<!tpu.dma_semaphore, #tpu.memory_space<semaphore_mem>>, %arg12: memref<!tpu.dma_semaphore, #tpu.memory_space<semaphore_mem>>, %arg13: memref<!tpu.dma_semaphore, #tpu.memory_space<semaphore_mem>>, %arg14: memref<!tpu.dma_semaphore, #tpu.memory_space<semaphore_mem>>) attributes {dimension_semantics = [#tpu.dimension_semantics<core_parallel>, #tpu.dimension_semantics<subcore_parallel>], iteration_bounds = array<i64: 2, 16>, scalar_prefetch = 0 : i64, scratch_operands = 10 : i64, tpu.core_type = #tpu.core_type<sc_vector_subcore>, window_params = [{transform_indices = #map}, {transform_indices = #map}, {transform_indices = #map1}]} {
    %mul3A = arith.constant 2 : i32
    %mul3A_0 = arith.muli %arg1, %mul3A : i32
    %add3A = arith.addi %mul3A_0, %arg0 : i32
    %mul3A_1 = arith.constant 512 : i32
    %mul3A_2 = arith.muli %add3A, %mul3A_1 : i32
    "tpu.region"() ({
      %run_scoped3A = tpu.sem_alloc : memref<!tpu.dma_semaphore, #tpu.memory_space<semaphore_mem>>
      %dma_start3A_446 = arith.constant 0 : i32
      %dma_start3A_447 = tpu.memref_slice %arg2[%mul3A_2, %dma_start3A_446] : memref<16384x200xi32, #tpu.memory_space<hbm>> -> memref<4x200xi32, #tpu.memory_space<hbm>>
      %dma_start3A_448 = arith.constant 0 : i32
      %dma_start3A_449 = tpu.memref_slice %arg2[%mul3A_2, %dma_start3A_448] : memref<16384x200xi32, #tpu.memory_space<hbm>> -> memref<4x200xi32, #tpu.memory_space<hbm>>
      tpu.enqueue_dma source(%dma_start3A_449 : memref<4x200xi32, #tpu.memory_space<hbm>>) target(%arg5 : memref<4x200xi32, #tpu.memory_space<vmem>>) target_semaphore(%run_scoped3A : memref<!tpu.dma_semaphore, #tpu.memory_space<semaphore_mem>>)
      %dma_wait3A_450 = arith.constant 0 : i32
      %dma_wait3A_451 = tpu.memref_slice %arg2[%mul3A_2, %dma_wait3A_450] : memref<16384x200xi32, #tpu.memory_space<hbm>> -> memref<4x200xi32, #tpu.memory_space<hbm>>
      %dma_wait3A_452 = arith.constant 0 : i32
      %dma_wait3A_453 = tpu.memref_slice %arg2[%mul3A_2, %dma_wait3A_452] : memref<16384x200xi32, #tpu.memory_space<hbm>> -> memref<4x200xi32, #tpu.memory_space<hbm>>
      tpu.wait_dma2 semaphore(%run_scoped3A : memref<!tpu.dma_semaphore, #tpu.memory_space<semaphore_mem>>) src(%dma_wait3A_453 : memref<4x200xi32, #tpu.memory_space<hbm>>) dst(%arg5 : memref<4x200xi32, #tpu.memory_space<vmem>>)
      tpu.yield
    }) : () -> ()
    %dma_start3A = arith.constant 0 : i32
    %dma_start3A_3 = arith.constant 0 : i32
    %dma_start3A_4 = arith.constant 0 : i32
    %dma_start3A_5 = arith.constant 0 : i32
    %dma_start3A_6 = tpu.memref_slice %arg7[%dma_start3A_3, %dma_start3A_4, %dma_start3A_5] : memref<4x200x64xf32, #tpu.memory_space<vmem>> -> memref<1x128x64xf32, #tpu.memory_space<vmem>>
    %dma_start3A_7 = tpu.memref_squeeze %dma_start3A_6 : memref<1x128x64xf32, #tpu.memory_space<vmem>> -> memref<128x64xf32, #tpu.memory_space<vmem>>
    %dma_start3A_8 = arith.constant 0 : i32
    %dma_start3A_9 = tpu.memref_slice %arg5[%dma_start3A, %dma_start3A_8] : memref<4x200xi32, #tpu.memory_space<vmem>> -> memref<1x128xi32, #tpu.memory_space<vmem>>
    %dma_start3A_10 = tpu.memref_squeeze %dma_start3A_9 : memref<1x128xi32, #tpu.memory_space<vmem>> -> memref<128xi32, #tpu.memory_space<vmem>>
    %dma_start3A_11 = arith.constant 0 : i32
    %dma_start3A_12 = arith.constant 0 : i32
    %dma_start3A_13 = tpu.memref_slice %arg3[%dma_start3A_11, %dma_start3A_12] : memref<1000000x64xf32, #tpu.memory_space<hbm>> -> memref<1000000x64xf32, #tpu.memory_space<hbm>>
    tpu.enqueue_indirect_dma source(%dma_start3A_13 : memref<1000000x64xf32, #tpu.memory_space<hbm>>) target(%dma_start3A_7 : memref<128x64xf32, #tpu.memory_space<vmem>>) offsets(%dma_start3A_10 : memref<128xi32, #tpu.memory_space<vmem>>) semaphore(%arg9 : memref<!tpu.dma_semaphore, #tpu.memory_space<semaphore_mem>>)
    %dma_start3A_14 = arith.constant 0 : i32
    %dma_start3A_15 = arith.constant 0 : i32
    %dma_start3A_16 = arith.constant 128 : i32
    %dma_start3A_17 = arith.constant 0 : i32
    %dma_start3A_18 = tpu.memref_slice %arg7[%dma_start3A_15, %dma_start3A_16, %dma_start3A_17] : memref<4x200x64xf32, #tpu.memory_space<vmem>> -> memref<1x72x64xf32, #tpu.memory_space<vmem>>
    %dma_start3A_19 = tpu.memref_squeeze %dma_start3A_18 : memref<1x72x64xf32, #tpu.memory_space<vmem>> -> memref<72x64xf32, #tpu.memory_space<vmem>>
    %dma_start3A_20 = arith.constant 128 : i32
    %dma_start3A_21 = tpu.memref_slice %arg5[%dma_start3A_14, %dma_start3A_20] : memref<4x200xi32, #tpu.memory_space<vmem>> -> memref<1x72xi32, #tpu.memory_space<vmem>>
    %dma_start3A_22 = tpu.memref_squeeze %dma_start3A_21 : memref<1x72xi32, #tpu.memory_space<vmem>> -> memref<72xi32, #tpu.memory_space<vmem>>
    %dma_start3A_23 = arith.constant 0 : i32
    %dma_start3A_24 = arith.constant 0 : i32
    %dma_start3A_25 = tpu.memref_slice %arg3[%dma_start3A_23, %dma_start3A_24] : memref<1000000x64xf32, #tpu.memory_space<hbm>> -> memref<1000000x64xf32, #tpu.memory_space<hbm>>
    tpu.enqueue_indirect_dma source(%dma_start3A_25 : memref<1000000x64xf32, #tpu.memory_space<hbm>>) target(%dma_start3A_19 : memref<72x64xf32, #tpu.memory_space<vmem>>) offsets(%dma_start3A_22 : memref<72xi32, #tpu.memory_space<vmem>>) semaphore(%arg9 : memref<!tpu.dma_semaphore, #tpu.memory_space<semaphore_mem>>)
    %dma_start3A_26 = arith.constant 1 : i32
    %dma_start3A_27 = arith.constant 1 : i32
    %dma_start3A_28 = arith.constant 0 : i32
    %dma_start3A_29 = arith.constant 0 : i32
    %dma_start3A_30 = tpu.memref_slice %arg7[%dma_start3A_27, %dma_start3A_28, %dma_start3A_29] : memref<4x200x64xf32, #tpu.memory_space<vmem>> -> memref<1x128x64xf32, #tpu.memory_space<vmem>>
    %dma_start3A_31 = tpu.memref_squeeze %dma_start3A_30 : memref<1x128x64xf32, #tpu.memory_space<vmem>> -> memref<128x64xf32, #tpu.memory_space<vmem>>
    %dma_start3A_32 = arith.constant 0 : i32
    %dma_start3A_33 = tpu.memref_slice %arg5[%dma_start3A_26, %dma_start3A_32] : memref<4x200xi32, #tpu.memory_space<vmem>> -> memref<1x128xi32, #tpu.memory_space<vmem>>
    %dma_start3A_34 = tpu.memref_squeeze %dma_start3A_33 : memref<1x128xi32, #tpu.memory_space<vmem>> -> memref<128xi32, #tpu.memory_space<vmem>>
    %dma_start3A_35 = arith.constant 0 : i32
    %dma_start3A_36 = arith.constant 0 : i32
    %dma_start3A_37 = tpu.memref_slice %arg3[%dma_start3A_35, %dma_start3A_36] : memref<1000000x64xf32, #tpu.memory_space<hbm>> -> memref<1000000x64xf32, #tpu.memory_space<hbm>>
    tpu.enqueue_indirect_dma source(%dma_start3A_37 : memref<1000000x64xf32, #tpu.memory_space<hbm>>) target(%dma_start3A_31 : memref<128x64xf32, #tpu.memory_space<vmem>>) offsets(%dma_start3A_34 : memref<128xi32, #tpu.memory_space<vmem>>) semaphore(%arg9 : memref<!tpu.dma_semaphore, #tpu.memory_space<semaphore_mem>>)
    %dma_start3A_38 = arith.constant 1 : i32
    %dma_start3A_39 = arith.constant 1 : i32
    %dma_start3A_40 = arith.constant 128 : i32
    %dma_start3A_41 = arith.constant 0 : i32
    %dma_start3A_42 = tpu.memref_slice %arg7[%dma_start3A_39, %dma_start3A_40, %dma_start3A_41] : memref<4x200x64xf32, #tpu.memory_space<vmem>> -> memref<1x72x64xf32, #tpu.memory_space<vmem>>
    %dma_start3A_43 = tpu.memref_squeeze %dma_start3A_42 : memref<1x72x64xf32, #tpu.memory_space<vmem>> -> memref<72x64xf32, #tpu.memory_space<vmem>>
    %dma_start3A_44 = arith.constant 128 : i32
    %dma_start3A_45 = tpu.memref_slice %arg5[%dma_start3A_38, %dma_start3A_44] : memref<4x200xi32, #tpu.memory_space<vmem>> -> memref<1x72xi32, #tpu.memory_space<vmem>>
    %dma_start3A_46 = tpu.memref_squeeze %dma_start3A_45 : memref<1x72xi32, #tpu.memory_space<vmem>> -> memref<72xi32, #tpu.memory_space<vmem>>
    %dma_start3A_47 = arith.constant 0 : i32
    %dma_start3A_48 = arith.constant 0 : i32
    %dma_start3A_49 = tpu.memref_slice %arg3[%dma_start3A_47, %dma_start3A_48] : memref<1000000x64xf32, #tpu.memory_space<hbm>> -> memref<1000000x64xf32, #tpu.memory_space<hbm>>
    tpu.enqueue_indirect_dma source(%dma_start3A_49 : memref<1000000x64xf32, #tpu.memory_space<hbm>>) target(%dma_start3A_43 : memref<72x64xf32, #tpu.memory_space<vmem>>) offsets(%dma_start3A_46 : memref<72xi32, #tpu.memory_space<vmem>>) semaphore(%arg9 : memref<!tpu.dma_semaphore, #tpu.memory_space<semaphore_mem>>)
    %dma_start3A_50 = arith.constant 2 : i32
    %dma_start3A_51 = arith.constant 2 : i32
    %dma_start3A_52 = arith.constant 0 : i32
    %dma_start3A_53 = arith.constant 0 : i32
    %dma_start3A_54 = tpu.memref_slice %arg7[%dma_start3A_51, %dma_start3A_52, %dma_start3A_53] : memref<4x200x64xf32, #tpu.memory_space<vmem>> -> memref<1x128x64xf32, #tpu.memory_space<vmem>>
    %dma_start3A_55 = tpu.memref_squeeze %dma_start3A_54 : memref<1x128x64xf32, #tpu.memory_space<vmem>> -> memref<128x64xf32, #tpu.memory_space<vmem>>
    %dma_start3A_56 = arith.constant 0 : i32
    %dma_start3A_57 = tpu.memref_slice %arg5[%dma_start3A_50, %dma_start3A_56] : memref<4x200xi32, #tpu.memory_space<vmem>> -> memref<1x128xi32, #tpu.memory_space<vmem>>
    %dma_start3A_58 = tpu.memref_squeeze %dma_start3A_57 : memref<1x128xi32, #tpu.memory_space<vmem>> -> memref<128xi32, #tpu.memory_space<vmem>>
    %dma_start3A_59 = arith.constant 0 : i32
    %dma_start3A_60 = arith.constant 0 : i32
    %dma_start3A_61 = tpu.memref_slice %arg3[%dma_start3A_59, %dma_start3A_60] : memref<1000000x64xf32, #tpu.memory_space<hbm>> -> memref<1000000x64xf32, #tpu.memory_space<hbm>>
    tpu.enqueue_indirect_dma source(%dma_start3A_61 : memref<1000000x64xf32, #tpu.memory_space<hbm>>) target(%dma_start3A_55 : memref<128x64xf32, #tpu.memory_space<vmem>>) offsets(%dma_start3A_58 : memref<128xi32, #tpu.memory_space<vmem>>) semaphore(%arg9 : memref<!tpu.dma_semaphore, #tpu.memory_space<semaphore_mem>>)
    %dma_start3A_62 = arith.constant 2 : i32
    %dma_start3A_63 = arith.constant 2 : i32
    %dma_start3A_64 = arith.constant 128 : i32
    %dma_start3A_65 = arith.constant 0 : i32
    %dma_start3A_66 = tpu.memref_slice %arg7[%dma_start3A_63, %dma_start3A_64, %dma_start3A_65] : memref<4x200x64xf32, #tpu.memory_space<vmem>> -> memref<1x72x64xf32, #tpu.memory_space<vmem>>
    %dma_start3A_67 = tpu.memref_squeeze %dma_start3A_66 : memref<1x72x64xf32, #tpu.memory_space<vmem>> -> memref<72x64xf32, #tpu.memory_space<vmem>>
    %dma_start3A_68 = arith.constant 128 : i32
    %dma_start3A_69 = tpu.memref_slice %arg5[%dma_start3A_62, %dma_start3A_68] : memref<4x200xi32, #tpu.memory_space<vmem>> -> memref<1x72xi32, #tpu.memory_space<vmem>>
    %dma_start3A_70 = tpu.memref_squeeze %dma_start3A_69 : memref<1x72xi32, #tpu.memory_space<vmem>> -> memref<72xi32, #tpu.memory_space<vmem>>
    %dma_start3A_71 = arith.constant 0 : i32
    %dma_start3A_72 = arith.constant 0 : i32
    %dma_start3A_73 = tpu.memref_slice %arg3[%dma_start3A_71, %dma_start3A_72] : memref<1000000x64xf32, #tpu.memory_space<hbm>> -> memref<1000000x64xf32, #tpu.memory_space<hbm>>
    tpu.enqueue_indirect_dma source(%dma_start3A_73 : memref<1000000x64xf32, #tpu.memory_space<hbm>>) target(%dma_start3A_67 : memref<72x64xf32, #tpu.memory_space<vmem>>) offsets(%dma_start3A_70 : memref<72xi32, #tpu.memory_space<vmem>>) semaphore(%arg9 : memref<!tpu.dma_semaphore, #tpu.memory_space<semaphore_mem>>)
    %dma_start3A_74 = arith.constant 3 : i32
    %dma_start3A_75 = arith.constant 3 : i32
    %dma_start3A_76 = arith.constant 0 : i32
    %dma_start3A_77 = arith.constant 0 : i32
    %dma_start3A_78 = tpu.memref_slice %arg7[%dma_start3A_75, %dma_start3A_76, %dma_start3A_77] : memref<4x200x64xf32, #tpu.memory_space<vmem>> -> memref<1x128x64xf32, #tpu.memory_space<vmem>>
    %dma_start3A_79 = tpu.memref_squeeze %dma_start3A_78 : memref<1x128x64xf32, #tpu.memory_space<vmem>> -> memref<128x64xf32, #tpu.memory_space<vmem>>
    %dma_start3A_80 = arith.constant 0 : i32
    %dma_start3A_81 = tpu.memref_slice %arg5[%dma_start3A_74, %dma_start3A_80] : memref<4x200xi32, #tpu.memory_space<vmem>> -> memref<1x128xi32, #tpu.memory_space<vmem>>
    %dma_start3A_82 = tpu.memref_squeeze %dma_start3A_81 : memref<1x128xi32, #tpu.memory_space<vmem>> -> memref<128xi32, #tpu.memory_space<vmem>>
    %dma_start3A_83 = arith.constant 0 : i32
    %dma_start3A_84 = arith.constant 0 : i32
    %dma_start3A_85 = tpu.memref_slice %arg3[%dma_start3A_83, %dma_start3A_84] : memref<1000000x64xf32, #tpu.memory_space<hbm>> -> memref<1000000x64xf32, #tpu.memory_space<hbm>>
    tpu.enqueue_indirect_dma source(%dma_start3A_85 : memref<1000000x64xf32, #tpu.memory_space<hbm>>) target(%dma_start3A_79 : memref<128x64xf32, #tpu.memory_space<vmem>>) offsets(%dma_start3A_82 : memref<128xi32, #tpu.memory_space<vmem>>) semaphore(%arg9 : memref<!tpu.dma_semaphore, #tpu.memory_space<semaphore_mem>>)
    %dma_start3A_86 = arith.constant 3 : i32
    %dma_start3A_87 = arith.constant 3 : i32
    %dma_start3A_88 = arith.constant 128 : i32
    %dma_start3A_89 = arith.constant 0 : i32
    %dma_start3A_90 = tpu.memref_slice %arg7[%dma_start3A_87, %dma_start3A_88, %dma_start3A_89] : memref<4x200x64xf32, #tpu.memory_space<vmem>> -> memref<1x72x64xf32, #tpu.memory_space<vmem>>
    %dma_start3A_91 = tpu.memref_squeeze %dma_start3A_90 : memref<1x72x64xf32, #tpu.memory_space<vmem>> -> memref<72x64xf32, #tpu.memory_space<vmem>>
    %dma_start3A_92 = arith.constant 128 : i32
    %dma_start3A_93 = tpu.memref_slice %arg5[%dma_start3A_86, %dma_start3A_92] : memref<4x200xi32, #tpu.memory_space<vmem>> -> memref<1x72xi32, #tpu.memory_space<vmem>>
    %dma_start3A_94 = tpu.memref_squeeze %dma_start3A_93 : memref<1x72xi32, #tpu.memory_space<vmem>> -> memref<72xi32, #tpu.memory_space<vmem>>
    %dma_start3A_95 = arith.constant 0 : i32
    %dma_start3A_96 = arith.constant 0 : i32
    %dma_start3A_97 = tpu.memref_slice %arg3[%dma_start3A_95, %dma_start3A_96] : memref<1000000x64xf32, #tpu.memory_space<hbm>> -> memref<1000000x64xf32, #tpu.memory_space<hbm>>
    tpu.enqueue_indirect_dma source(%dma_start3A_97 : memref<1000000x64xf32, #tpu.memory_space<hbm>>) target(%dma_start3A_91 : memref<72x64xf32, #tpu.memory_space<vmem>>) offsets(%dma_start3A_94 : memref<72xi32, #tpu.memory_space<vmem>>) semaphore(%arg9 : memref<!tpu.dma_semaphore, #tpu.memory_space<semaphore_mem>>)
    %add3A_98 = arith.constant 4 : i32
    %add3A_99 = arith.addi %mul3A_2, %add3A_98 : i32
    %dma_start3A_100 = arith.constant 0 : i32
    %dma_start3A_101 = tpu.memref_slice %arg2[%add3A_99, %dma_start3A_100] : memref<16384x200xi32, #tpu.memory_space<hbm>> -> memref<4x200xi32, #tpu.memory_space<hbm>>
    %dma_start3A_102 = arith.constant 0 : i32
    %dma_start3A_103 = tpu.memref_slice %arg2[%add3A_99, %dma_start3A_102] : memref<16384x200xi32, #tpu.memory_space<hbm>> -> memref<4x200xi32, #tpu.memory_space<hbm>>
    tpu.enqueue_dma source(%dma_start3A_103 : memref<4x200xi32, #tpu.memory_space<hbm>>) target(%arg6 : memref<4x200xi32, #tpu.memory_space<vmem>>) target_semaphore(%arg14 : memref<!tpu.dma_semaphore, #tpu.memory_space<semaphore_mem>>)
    %dma_wait3A = arith.constant 0 : i32
    %dma_wait3A_104 = arith.constant 0 : i32
    %dma_wait3A_105 = tpu.memref_slice %arg2[%dma_wait3A, %dma_wait3A_104] : memref<16384x200xi32, #tpu.memory_space<hbm>> -> memref<4x200xi32, #tpu.memory_space<hbm>>
    %dma_wait3A_106 = arith.constant 0 : i32
    %dma_wait3A_107 = arith.constant 0 : i32
    %dma_wait3A_108 = tpu.memref_slice %arg2[%dma_wait3A_106, %dma_wait3A_107] : memref<16384x200xi32, #tpu.memory_space<hbm>> -> memref<4x200xi32, #tpu.memory_space<hbm>>
    tpu.wait_dma2 semaphore(%arg14 : memref<!tpu.dma_semaphore, #tpu.memory_space<semaphore_mem>>) src(%dma_wait3A_108 : memref<4x200xi32, #tpu.memory_space<hbm>>) dst(%arg6 : memref<4x200xi32, #tpu.memory_space<vmem>>)
    %dma_start3A_109 = arith.constant 0 : i32
    %dma_start3A_110 = arith.constant 0 : i32
    %dma_start3A_111 = arith.constant 0 : i32
    %dma_start3A_112 = arith.constant 0 : i32
    %dma_start3A_113 = tpu.memref_slice %arg8[%dma_start3A_110, %dma_start3A_111, %dma_start3A_112] : memref<4x200x64xf32, #tpu.memory_space<vmem>> -> memref<1x128x64xf32, #tpu.memory_space<vmem>>
    %dma_start3A_114 = tpu.memref_squeeze %dma_start3A_113 : memref<1x128x64xf32, #tpu.memory_space<vmem>> -> memref<128x64xf32, #tpu.memory_space<vmem>>
    %dma_start3A_115 = arith.constant 0 : i32
    %dma_start3A_116 = tpu.memref_slice %arg6[%dma_start3A_109, %dma_start3A_115] : memref<4x200xi32, #tpu.memory_space<vmem>> -> memref<1x128xi32, #tpu.memory_space<vmem>>
    %dma_start3A_117 = tpu.memref_squeeze %dma_start3A_116 : memref<1x128xi32, #tpu.memory_space<vmem>> -> memref<128xi32, #tpu.memory_space<vmem>>
    %dma_start3A_118 = arith.constant 0 : i32
    %dma_start3A_119 = arith.constant 0 : i32
    %dma_start3A_120 = tpu.memref_slice %arg3[%dma_start3A_118, %dma_start3A_119] : memref<1000000x64xf32, #tpu.memory_space<hbm>> -> memref<1000000x64xf32, #tpu.memory_space<hbm>>
    tpu.enqueue_indirect_dma source(%dma_start3A_120 : memref<1000000x64xf32, #tpu.memory_space<hbm>>) target(%dma_start3A_114 : memref<128x64xf32, #tpu.memory_space<vmem>>) offsets(%dma_start3A_117 : memref<128xi32, #tpu.memory_space<vmem>>) semaphore(%arg10 : memref<!tpu.dma_semaphore, #tpu.memory_space<semaphore_mem>>)
    %dma_start3A_121 = arith.constant 0 : i32
    %dma_start3A_122 = arith.constant 0 : i32
    %dma_start3A_123 = arith.constant 128 : i32
    %dma_start3A_124 = arith.constant 0 : i32
    %dma_start3A_125 = tpu.memref_slice %arg8[%dma_start3A_122, %dma_start3A_123, %dma_start3A_124] : memref<4x200x64xf32, #tpu.memory_space<vmem>> -> memref<1x72x64xf32, #tpu.memory_space<vmem>>
    %dma_start3A_126 = tpu.memref_squeeze %dma_start3A_125 : memref<1x72x64xf32, #tpu.memory_space<vmem>> -> memref<72x64xf32, #tpu.memory_space<vmem>>
    %dma_start3A_127 = arith.constant 128 : i32
    %dma_start3A_128 = tpu.memref_slice %arg6[%dma_start3A_121, %dma_start3A_127] : memref<4x200xi32, #tpu.memory_space<vmem>> -> memref<1x72xi32, #tpu.memory_space<vmem>>
    %dma_start3A_129 = tpu.memref_squeeze %dma_start3A_128 : memref<1x72xi32, #tpu.memory_space<vmem>> -> memref<72xi32, #tpu.memory_space<vmem>>
    %dma_start3A_130 = arith.constant 0 : i32
    %dma_start3A_131 = arith.constant 0 : i32
    %dma_start3A_132 = tpu.memref_slice %arg3[%dma_start3A_130, %dma_start3A_131] : memref<1000000x64xf32, #tpu.memory_space<hbm>> -> memref<1000000x64xf32, #tpu.memory_space<hbm>>
    tpu.enqueue_indirect_dma source(%dma_start3A_132 : memref<1000000x64xf32, #tpu.memory_space<hbm>>) target(%dma_start3A_126 : memref<72x64xf32, #tpu.memory_space<vmem>>) offsets(%dma_start3A_129 : memref<72xi32, #tpu.memory_space<vmem>>) semaphore(%arg10 : memref<!tpu.dma_semaphore, #tpu.memory_space<semaphore_mem>>)
    %dma_start3A_133 = arith.constant 1 : i32
    %dma_start3A_134 = arith.constant 1 : i32
    %dma_start3A_135 = arith.constant 0 : i32
    %dma_start3A_136 = arith.constant 0 : i32
    %dma_start3A_137 = tpu.memref_slice %arg8[%dma_start3A_134, %dma_start3A_135, %dma_start3A_136] : memref<4x200x64xf32, #tpu.memory_space<vmem>> -> memref<1x128x64xf32, #tpu.memory_space<vmem>>
    %dma_start3A_138 = tpu.memref_squeeze %dma_start3A_137 : memref<1x128x64xf32, #tpu.memory_space<vmem>> -> memref<128x64xf32, #tpu.memory_space<vmem>>
    %dma_start3A_139 = arith.constant 0 : i32
    %dma_start3A_140 = tpu.memref_slice %arg6[%dma_start3A_133, %dma_start3A_139] : memref<4x200xi32, #tpu.memory_space<vmem>> -> memref<1x128xi32, #tpu.memory_space<vmem>>
    %dma_start3A_141 = tpu.memref_squeeze %dma_start3A_140 : memref<1x128xi32, #tpu.memory_space<vmem>> -> memref<128xi32, #tpu.memory_space<vmem>>
    %dma_start3A_142 = arith.constant 0 : i32
    %dma_start3A_143 = arith.constant 0 : i32
    %dma_start3A_144 = tpu.memref_slice %arg3[%dma_start3A_142, %dma_start3A_143] : memref<1000000x64xf32, #tpu.memory_space<hbm>> -> memref<1000000x64xf32, #tpu.memory_space<hbm>>
    tpu.enqueue_indirect_dma source(%dma_start3A_144 : memref<1000000x64xf32, #tpu.memory_space<hbm>>) target(%dma_start3A_138 : memref<128x64xf32, #tpu.memory_space<vmem>>) offsets(%dma_start3A_141 : memref<128xi32, #tpu.memory_space<vmem>>) semaphore(%arg10 : memref<!tpu.dma_semaphore, #tpu.memory_space<semaphore_mem>>)
    %dma_start3A_145 = arith.constant 1 : i32
    %dma_start3A_146 = arith.constant 1 : i32
    %dma_start3A_147 = arith.constant 128 : i32
    %dma_start3A_148 = arith.constant 0 : i32
    %dma_start3A_149 = tpu.memref_slice %arg8[%dma_start3A_146, %dma_start3A_147, %dma_start3A_148] : memref<4x200x64xf32, #tpu.memory_space<vmem>> -> memref<1x72x64xf32, #tpu.memory_space<vmem>>
    %dma_start3A_150 = tpu.memref_squeeze %dma_start3A_149 : memref<1x72x64xf32, #tpu.memory_space<vmem>> -> memref<72x64xf32, #tpu.memory_space<vmem>>
    %dma_start3A_151 = arith.constant 128 : i32
    %dma_start3A_152 = tpu.memref_slice %arg6[%dma_start3A_145, %dma_start3A_151] : memref<4x200xi32, #tpu.memory_space<vmem>> -> memref<1x72xi32, #tpu.memory_space<vmem>>
    %dma_start3A_153 = tpu.memref_squeeze %dma_start3A_152 : memref<1x72xi32, #tpu.memory_space<vmem>> -> memref<72xi32, #tpu.memory_space<vmem>>
    %dma_start3A_154 = arith.constant 0 : i32
    %dma_start3A_155 = arith.constant 0 : i32
    %dma_start3A_156 = tpu.memref_slice %arg3[%dma_start3A_154, %dma_start3A_155] : memref<1000000x64xf32, #tpu.memory_space<hbm>> -> memref<1000000x64xf32, #tpu.memory_space<hbm>>
    tpu.enqueue_indirect_dma source(%dma_start3A_156 : memref<1000000x64xf32, #tpu.memory_space<hbm>>) target(%dma_start3A_150 : memref<72x64xf32, #tpu.memory_space<vmem>>) offsets(%dma_start3A_153 : memref<72xi32, #tpu.memory_space<vmem>>) semaphore(%arg10 : memref<!tpu.dma_semaphore, #tpu.memory_space<semaphore_mem>>)
    %dma_start3A_157 = arith.constant 2 : i32
    %dma_start3A_158 = arith.constant 2 : i32
    %dma_start3A_159 = arith.constant 0 : i32
    %dma_start3A_160 = arith.constant 0 : i32
    %dma_start3A_161 = tpu.memref_slice %arg8[%dma_start3A_158, %dma_start3A_159, %dma_start3A_160] : memref<4x200x64xf32, #tpu.memory_space<vmem>> -> memref<1x128x64xf32, #tpu.memory_space<vmem>>
    %dma_start3A_162 = tpu.memref_squeeze %dma_start3A_161 : memref<1x128x64xf32, #tpu.memory_space<vmem>> -> memref<128x64xf32, #tpu.memory_space<vmem>>
    %dma_start3A_163 = arith.constant 0 : i32
    %dma_start3A_164 = tpu.memref_slice %arg6[%dma_start3A_157, %dma_start3A_163] : memref<4x200xi32, #tpu.memory_space<vmem>> -> memref<1x128xi32, #tpu.memory_space<vmem>>
    %dma_start3A_165 = tpu.memref_squeeze %dma_start3A_164 : memref<1x128xi32, #tpu.memory_space<vmem>> -> memref<128xi32, #tpu.memory_space<vmem>>
    %dma_start3A_166 = arith.constant 0 : i32
    %dma_start3A_167 = arith.constant 0 : i32
    %dma_start3A_168 = tpu.memref_slice %arg3[%dma_start3A_166, %dma_start3A_167] : memref<1000000x64xf32, #tpu.memory_space<hbm>> -> memref<1000000x64xf32, #tpu.memory_space<hbm>>
    tpu.enqueue_indirect_dma source(%dma_start3A_168 : memref<1000000x64xf32, #tpu.memory_space<hbm>>) target(%dma_start3A_162 : memref<128x64xf32, #tpu.memory_space<vmem>>) offsets(%dma_start3A_165 : memref<128xi32, #tpu.memory_space<vmem>>) semaphore(%arg10 : memref<!tpu.dma_semaphore, #tpu.memory_space<semaphore_mem>>)
    %dma_start3A_169 = arith.constant 2 : i32
    %dma_start3A_170 = arith.constant 2 : i32
    %dma_start3A_171 = arith.constant 128 : i32
    %dma_start3A_172 = arith.constant 0 : i32
    %dma_start3A_173 = tpu.memref_slice %arg8[%dma_start3A_170, %dma_start3A_171, %dma_start3A_172] : memref<4x200x64xf32, #tpu.memory_space<vmem>> -> memref<1x72x64xf32, #tpu.memory_space<vmem>>
    %dma_start3A_174 = tpu.memref_squeeze %dma_start3A_173 : memref<1x72x64xf32, #tpu.memory_space<vmem>> -> memref<72x64xf32, #tpu.memory_space<vmem>>
    %dma_start3A_175 = arith.constant 128 : i32
    %dma_start3A_176 = tpu.memref_slice %arg6[%dma_start3A_169, %dma_start3A_175] : memref<4x200xi32, #tpu.memory_space<vmem>> -> memref<1x72xi32, #tpu.memory_space<vmem>>
    %dma_start3A_177 = tpu.memref_squeeze %dma_start3A_176 : memref<1x72xi32, #tpu.memory_space<vmem>> -> memref<72xi32, #tpu.memory_space<vmem>>
    %dma_start3A_178 = arith.constant 0 : i32
    %dma_start3A_179 = arith.constant 0 : i32
    %dma_start3A_180 = tpu.memref_slice %arg3[%dma_start3A_178, %dma_start3A_179] : memref<1000000x64xf32, #tpu.memory_space<hbm>> -> memref<1000000x64xf32, #tpu.memory_space<hbm>>
    tpu.enqueue_indirect_dma source(%dma_start3A_180 : memref<1000000x64xf32, #tpu.memory_space<hbm>>) target(%dma_start3A_174 : memref<72x64xf32, #tpu.memory_space<vmem>>) offsets(%dma_start3A_177 : memref<72xi32, #tpu.memory_space<vmem>>) semaphore(%arg10 : memref<!tpu.dma_semaphore, #tpu.memory_space<semaphore_mem>>)
    %dma_start3A_181 = arith.constant 3 : i32
    %dma_start3A_182 = arith.constant 3 : i32
    %dma_start3A_183 = arith.constant 0 : i32
    %dma_start3A_184 = arith.constant 0 : i32
    %dma_start3A_185 = tpu.memref_slice %arg8[%dma_start3A_182, %dma_start3A_183, %dma_start3A_184] : memref<4x200x64xf32, #tpu.memory_space<vmem>> -> memref<1x128x64xf32, #tpu.memory_space<vmem>>
    %dma_start3A_186 = tpu.memref_squeeze %dma_start3A_185 : memref<1x128x64xf32, #tpu.memory_space<vmem>> -> memref<128x64xf32, #tpu.memory_space<vmem>>
    %dma_start3A_187 = arith.constant 0 : i32
    %dma_start3A_188 = tpu.memref_slice %arg6[%dma_start3A_181, %dma_start3A_187] : memref<4x200xi32, #tpu.memory_space<vmem>> -> memref<1x128xi32, #tpu.memory_space<vmem>>
    %dma_start3A_189 = tpu.memref_squeeze %dma_start3A_188 : memref<1x128xi32, #tpu.memory_space<vmem>> -> memref<128xi32, #tpu.memory_space<vmem>>
    %dma_start3A_190 = arith.constant 0 : i32
    %dma_start3A_191 = arith.constant 0 : i32
    %dma_start3A_192 = tpu.memref_slice %arg3[%dma_start3A_190, %dma_start3A_191] : memref<1000000x64xf32, #tpu.memory_space<hbm>> -> memref<1000000x64xf32, #tpu.memory_space<hbm>>
    tpu.enqueue_indirect_dma source(%dma_start3A_192 : memref<1000000x64xf32, #tpu.memory_space<hbm>>) target(%dma_start3A_186 : memref<128x64xf32, #tpu.memory_space<vmem>>) offsets(%dma_start3A_189 : memref<128xi32, #tpu.memory_space<vmem>>) semaphore(%arg10 : memref<!tpu.dma_semaphore, #tpu.memory_space<semaphore_mem>>)
    %dma_start3A_193 = arith.constant 3 : i32
    %dma_start3A_194 = arith.constant 3 : i32
    %dma_start3A_195 = arith.constant 128 : i32
    %dma_start3A_196 = arith.constant 0 : i32
    %dma_start3A_197 = tpu.memref_slice %arg8[%dma_start3A_194, %dma_start3A_195, %dma_start3A_196] : memref<4x200x64xf32, #tpu.memory_space<vmem>> -> memref<1x72x64xf32, #tpu.memory_space<vmem>>
    %dma_start3A_198 = tpu.memref_squeeze %dma_start3A_197 : memref<1x72x64xf32, #tpu.memory_space<vmem>> -> memref<72x64xf32, #tpu.memory_space<vmem>>
    %dma_start3A_199 = arith.constant 128 : i32
    %dma_start3A_200 = tpu.memref_slice %arg6[%dma_start3A_193, %dma_start3A_199] : memref<4x200xi32, #tpu.memory_space<vmem>> -> memref<1x72xi32, #tpu.memory_space<vmem>>
    %dma_start3A_201 = tpu.memref_squeeze %dma_start3A_200 : memref<1x72xi32, #tpu.memory_space<vmem>> -> memref<72xi32, #tpu.memory_space<vmem>>
    %dma_start3A_202 = arith.constant 0 : i32
    %dma_start3A_203 = arith.constant 0 : i32
    %dma_start3A_204 = tpu.memref_slice %arg3[%dma_start3A_202, %dma_start3A_203] : memref<1000000x64xf32, #tpu.memory_space<hbm>> -> memref<1000000x64xf32, #tpu.memory_space<hbm>>
    tpu.enqueue_indirect_dma source(%dma_start3A_204 : memref<1000000x64xf32, #tpu.memory_space<hbm>>) target(%dma_start3A_198 : memref<72x64xf32, #tpu.memory_space<vmem>>) offsets(%dma_start3A_201 : memref<72xi32, #tpu.memory_space<vmem>>) semaphore(%arg10 : memref<!tpu.dma_semaphore, #tpu.memory_space<semaphore_mem>>)
    %dma_wait3A_205 = arith.constant 0 : i32
    %dma_wait3A_206 = arith.constant 0 : i32
    %dma_wait3A_207 = arith.constant 0 : i32
    %dma_wait3A_208 = arith.constant 0 : i32
    %dma_wait3A_209 = tpu.memref_slice %arg7[%dma_wait3A_206, %dma_wait3A_207, %dma_wait3A_208] : memref<4x200x64xf32, #tpu.memory_space<vmem>> -> memref<1x128x64xf32, #tpu.memory_space<vmem>>
    %dma_wait3A_210 = tpu.memref_squeeze %dma_wait3A_209 : memref<1x128x64xf32, #tpu.memory_space<vmem>> -> memref<128x64xf32, #tpu.memory_space<vmem>>
    %dma_wait3A_211 = arith.constant 0 : i32
    %dma_wait3A_212 = tpu.memref_slice %arg5[%dma_wait3A_205, %dma_wait3A_211] : memref<4x200xi32, #tpu.memory_space<vmem>> -> memref<1x128xi32, #tpu.memory_space<vmem>>
    %dma_wait3A_213 = tpu.memref_squeeze %dma_wait3A_212 : memref<1x128xi32, #tpu.memory_space<vmem>> -> memref<128xi32, #tpu.memory_space<vmem>>
    %dma_wait3A_214 = arith.constant 0 : i32
    %dma_wait3A_215 = arith.constant 0 : i32
    %dma_wait3A_216 = tpu.memref_slice %arg3[%dma_wait3A_214, %dma_wait3A_215] : memref<1000000x64xf32, #tpu.memory_space<hbm>> -> memref<1000000x64xf32, #tpu.memory_space<hbm>>
    tpu.wait_indirect_dma semaphore(%arg9 : memref<!tpu.dma_semaphore, #tpu.memory_space<semaphore_mem>>) src(%dma_wait3A_216 : memref<1000000x64xf32, #tpu.memory_space<hbm>>) dst(%dma_wait3A_210 : memref<128x64xf32, #tpu.memory_space<vmem>>)
    %dma_wait3A_217 = arith.constant 0 : i32
    %dma_wait3A_218 = arith.constant 0 : i32
    %dma_wait3A_219 = arith.constant 128 : i32
    %dma_wait3A_220 = arith.constant 0 : i32
    %dma_wait3A_221 = tpu.memref_slice %arg7[%dma_wait3A_218, %dma_wait3A_219, %dma_wait3A_220] : memref<4x200x64xf32, #tpu.memory_space<vmem>> -> memref<1x72x64xf32, #tpu.memory_space<vmem>>
    %dma_wait3A_222 = tpu.memref_squeeze %dma_wait3A_221 : memref<1x72x64xf32, #tpu.memory_space<vmem>> -> memref<72x64xf32, #tpu.memory_space<vmem>>
    %dma_wait3A_223 = arith.constant 128 : i32
    %dma_wait3A_224 = tpu.memref_slice %arg5[%dma_wait3A_217, %dma_wait3A_223] : memref<4x200xi32, #tpu.memory_space<vmem>> -> memref<1x72xi32, #tpu.memory_space<vmem>>
    %dma_wait3A_225 = tpu.memref_squeeze %dma_wait3A_224 : memref<1x72xi32, #tpu.memory_space<vmem>> -> memref<72xi32, #tpu.memory_space<vmem>>
    %dma_wait3A_226 = arith.constant 0 : i32
    %dma_wait3A_227 = arith.constant 0 : i32
    %dma_wait3A_228 = tpu.memref_slice %arg3[%dma_wait3A_226, %dma_wait3A_227] : memref<1000000x64xf32, #tpu.memory_space<hbm>> -> memref<1000000x64xf32, #tpu.memory_space<hbm>>
    tpu.wait_indirect_dma semaphore(%arg9 : memref<!tpu.dma_semaphore, #tpu.memory_space<semaphore_mem>>) src(%dma_wait3A_228 : memref<1000000x64xf32, #tpu.memory_space<hbm>>) dst(%dma_wait3A_222 : memref<72x64xf32, #tpu.memory_space<vmem>>)
    %dma_wait3A_229 = arith.constant 1 : i32
    %dma_wait3A_230 = arith.constant 1 : i32
    %dma_wait3A_231 = arith.constant 0 : i32
    %dma_wait3A_232 = arith.constant 0 : i32
    %dma_wait3A_233 = tpu.memref_slice %arg7[%dma_wait3A_230, %dma_wait3A_231, %dma_wait3A_232] : memref<4x200x64xf32, #tpu.memory_space<vmem>> -> memref<1x128x64xf32, #tpu.memory_space<vmem>>
    %dma_wait3A_234 = tpu.memref_squeeze %dma_wait3A_233 : memref<1x128x64xf32, #tpu.memory_space<vmem>> -> memref<128x64xf32, #tpu.memory_space<vmem>>
    %dma_wait3A_235 = arith.constant 0 : i32
    %dma_wait3A_236 = tpu.memref_slice %arg5[%dma_wait3A_229, %dma_wait3A_235] : memref<4x200xi32, #tpu.memory_space<vmem>> -> memref<1x128xi32, #tpu.memory_space<vmem>>
    %dma_wait3A_237 = tpu.memref_squeeze %dma_wait3A_236 : memref<1x128xi32, #tpu.memory_space<vmem>> -> memref<128xi32, #tpu.memory_space<vmem>>
    %dma_wait3A_238 = arith.constant 0 : i32
    %dma_wait3A_239 = arith.constant 0 : i32
    %dma_wait3A_240 = tpu.memref_slice %arg3[%dma_wait3A_238, %dma_wait3A_239] : memref<1000000x64xf32, #tpu.memory_space<hbm>> -> memref<1000000x64xf32, #tpu.memory_space<hbm>>
    tpu.wait_indirect_dma semaphore(%arg9 : memref<!tpu.dma_semaphore, #tpu.memory_space<semaphore_mem>>) src(%dma_wait3A_240 : memref<1000000x64xf32, #tpu.memory_space<hbm>>) dst(%dma_wait3A_234 : memref<128x64xf32, #tpu.memory_space<vmem>>)
    %dma_wait3A_241 = arith.constant 1 : i32
    %dma_wait3A_242 = arith.constant 1 : i32
    %dma_wait3A_243 = arith.constant 128 : i32
    %dma_wait3A_244 = arith.constant 0 : i32
    %dma_wait3A_245 = tpu.memref_slice %arg7[%dma_wait3A_242, %dma_wait3A_243, %dma_wait3A_244] : memref<4x200x64xf32, #tpu.memory_space<vmem>> -> memref<1x72x64xf32, #tpu.memory_space<vmem>>
    %dma_wait3A_246 = tpu.memref_squeeze %dma_wait3A_245 : memref<1x72x64xf32, #tpu.memory_space<vmem>> -> memref<72x64xf32, #tpu.memory_space<vmem>>
    %dma_wait3A_247 = arith.constant 128 : i32
    %dma_wait3A_248 = tpu.memref_slice %arg5[%dma_wait3A_241, %dma_wait3A_247] : memref<4x200xi32, #tpu.memory_space<vmem>> -> memref<1x72xi32, #tpu.memory_space<vmem>>
    %dma_wait3A_249 = tpu.memref_squeeze %dma_wait3A_248 : memref<1x72xi32, #tpu.memory_space<vmem>> -> memref<72xi32, #tpu.memory_space<vmem>>
    %dma_wait3A_250 = arith.constant 0 : i32
    %dma_wait3A_251 = arith.constant 0 : i32
    %dma_wait3A_252 = tpu.memref_slice %arg3[%dma_wait3A_250, %dma_wait3A_251] : memref<1000000x64xf32, #tpu.memory_space<hbm>> -> memref<1000000x64xf32, #tpu.memory_space<hbm>>
    tpu.wait_indirect_dma semaphore(%arg9 : memref<!tpu.dma_semaphore, #tpu.memory_space<semaphore_mem>>) src(%dma_wait3A_252 : memref<1000000x64xf32, #tpu.memory_space<hbm>>) dst(%dma_wait3A_246 : memref<72x64xf32, #tpu.memory_space<vmem>>)
    %dma_wait3A_253 = arith.constant 2 : i32
    %dma_wait3A_254 = arith.constant 2 : i32
    %dma_wait3A_255 = arith.constant 0 : i32
    %dma_wait3A_256 = arith.constant 0 : i32
    %dma_wait3A_257 = tpu.memref_slice %arg7[%dma_wait3A_254, %dma_wait3A_255, %dma_wait3A_256] : memref<4x200x64xf32, #tpu.memory_space<vmem>> -> memref<1x128x64xf32, #tpu.memory_space<vmem>>
    %dma_wait3A_258 = tpu.memref_squeeze %dma_wait3A_257 : memref<1x128x64xf32, #tpu.memory_space<vmem>> -> memref<128x64xf32, #tpu.memory_space<vmem>>
    %dma_wait3A_259 = arith.constant 0 : i32
    %dma_wait3A_260 = tpu.memref_slice %arg5[%dma_wait3A_253, %dma_wait3A_259] : memref<4x200xi32, #tpu.memory_space<vmem>> -> memref<1x128xi32, #tpu.memory_space<vmem>>
    %dma_wait3A_261 = tpu.memref_squeeze %dma_wait3A_260 : memref<1x128xi32, #tpu.memory_space<vmem>> -> memref<128xi32, #tpu.memory_space<vmem>>
    %dma_wait3A_262 = arith.constant 0 : i32
    %dma_wait3A_263 = arith.constant 0 : i32
    %dma_wait3A_264 = tpu.memref_slice %arg3[%dma_wait3A_262, %dma_wait3A_263] : memref<1000000x64xf32, #tpu.memory_space<hbm>> -> memref<1000000x64xf32, #tpu.memory_space<hbm>>
    tpu.wait_indirect_dma semaphore(%arg9 : memref<!tpu.dma_semaphore, #tpu.memory_space<semaphore_mem>>) src(%dma_wait3A_264 : memref<1000000x64xf32, #tpu.memory_space<hbm>>) dst(%dma_wait3A_258 : memref<128x64xf32, #tpu.memory_space<vmem>>)
    %dma_wait3A_265 = arith.constant 2 : i32
    %dma_wait3A_266 = arith.constant 2 : i32
    %dma_wait3A_267 = arith.constant 128 : i32
    %dma_wait3A_268 = arith.constant 0 : i32
    %dma_wait3A_269 = tpu.memref_slice %arg7[%dma_wait3A_266, %dma_wait3A_267, %dma_wait3A_268] : memref<4x200x64xf32, #tpu.memory_space<vmem>> -> memref<1x72x64xf32, #tpu.memory_space<vmem>>
    %dma_wait3A_270 = tpu.memref_squeeze %dma_wait3A_269 : memref<1x72x64xf32, #tpu.memory_space<vmem>> -> memref<72x64xf32, #tpu.memory_space<vmem>>
    %dma_wait3A_271 = arith.constant 128 : i32
    %dma_wait3A_272 = tpu.memref_slice %arg5[%dma_wait3A_265, %dma_wait3A_271] : memref<4x200xi32, #tpu.memory_space<vmem>> -> memref<1x72xi32, #tpu.memory_space<vmem>>
    %dma_wait3A_273 = tpu.memref_squeeze %dma_wait3A_272 : memref<1x72xi32, #tpu.memory_space<vmem>> -> memref<72xi32, #tpu.memory_space<vmem>>
    %dma_wait3A_274 = arith.constant 0 : i32
    %dma_wait3A_275 = arith.constant 0 : i32
    %dma_wait3A_276 = tpu.memref_slice %arg3[%dma_wait3A_274, %dma_wait3A_275] : memref<1000000x64xf32, #tpu.memory_space<hbm>> -> memref<1000000x64xf32, #tpu.memory_space<hbm>>
    tpu.wait_indirect_dma semaphore(%arg9 : memref<!tpu.dma_semaphore, #tpu.memory_space<semaphore_mem>>) src(%dma_wait3A_276 : memref<1000000x64xf32, #tpu.memory_space<hbm>>) dst(%dma_wait3A_270 : memref<72x64xf32, #tpu.memory_space<vmem>>)
    %dma_wait3A_277 = arith.constant 3 : i32
    %dma_wait3A_278 = arith.constant 3 : i32
    %dma_wait3A_279 = arith.constant 0 : i32
    %dma_wait3A_280 = arith.constant 0 : i32
    %dma_wait3A_281 = tpu.memref_slice %arg7[%dma_wait3A_278, %dma_wait3A_279, %dma_wait3A_280] : memref<4x200x64xf32, #tpu.memory_space<vmem>> -> memref<1x128x64xf32, #tpu.memory_space<vmem>>
    %dma_wait3A_282 = tpu.memref_squeeze %dma_wait3A_281 : memref<1x128x64xf32, #tpu.memory_space<vmem>> -> memref<128x64xf32, #tpu.memory_space<vmem>>
    %dma_wait3A_283 = arith.constant 0 : i32
    %dma_wait3A_284 = tpu.memref_slice %arg5[%dma_wait3A_277, %dma_wait3A_283] : memref<4x200xi32, #tpu.memory_space<vmem>> -> memref<1x128xi32, #tpu.memory_space<vmem>>
    %dma_wait3A_285 = tpu.memref_squeeze %dma_wait3A_284 : memref<1x128xi32, #tpu.memory_space<vmem>> -> memref<128xi32, #tpu.memory_space<vmem>>
    %dma_wait3A_286 = arith.constant 0 : i32
    %dma_wait3A_287 = arith.constant 0 : i32
    %dma_wait3A_288 = tpu.memref_slice %arg3[%dma_wait3A_286, %dma_wait3A_287] : memref<1000000x64xf32, #tpu.memory_space<hbm>> -> memref<1000000x64xf32, #tpu.memory_space<hbm>>
    tpu.wait_indirect_dma semaphore(%arg9 : memref<!tpu.dma_semaphore, #tpu.memory_space<semaphore_mem>>) src(%dma_wait3A_288 : memref<1000000x64xf32, #tpu.memory_space<hbm>>) dst(%dma_wait3A_282 : memref<128x64xf32, #tpu.memory_space<vmem>>)
    %dma_wait3A_289 = arith.constant 3 : i32
    %dma_wait3A_290 = arith.constant 3 : i32
    %dma_wait3A_291 = arith.constant 128 : i32
    %dma_wait3A_292 = arith.constant 0 : i32
    %dma_wait3A_293 = tpu.memref_slice %arg7[%dma_wait3A_290, %dma_wait3A_291, %dma_wait3A_292] : memref<4x200x64xf32, #tpu.memory_space<vmem>> -> memref<1x72x64xf32, #tpu.memory_space<vmem>>
    %dma_wait3A_294 = tpu.memref_squeeze %dma_wait3A_293 : memref<1x72x64xf32, #tpu.memory_space<vmem>> -> memref<72x64xf32, #tpu.memory_space<vmem>>
    %dma_wait3A_295 = arith.constant 128 : i32
    %dma_wait3A_296 = tpu.memref_slice %arg5[%dma_wait3A_289, %dma_wait3A_295] : memref<4x200xi32, #tpu.memory_space<vmem>> -> memref<1x72xi32, #tpu.memory_space<vmem>>
    %dma_wait3A_297 = tpu.memref_squeeze %dma_wait3A_296 : memref<1x72xi32, #tpu.memory_space<vmem>> -> memref<72xi32, #tpu.memory_space<vmem>>
    %dma_wait3A_298 = arith.constant 0 : i32
    %dma_wait3A_299 = arith.constant 0 : i32
    %dma_wait3A_300 = tpu.memref_slice %arg3[%dma_wait3A_298, %dma_wait3A_299] : memref<1000000x64xf32, #tpu.memory_space<hbm>> -> memref<1000000x64xf32, #tpu.memory_space<hbm>>
    tpu.wait_indirect_dma semaphore(%arg9 : memref<!tpu.dma_semaphore, #tpu.memory_space<semaphore_mem>>) src(%dma_wait3A_300 : memref<1000000x64xf32, #tpu.memory_space<hbm>>) dst(%dma_wait3A_294 : memref<72x64xf32, #tpu.memory_space<vmem>>)
    %add3A_301 = arith.constant 0 : i32
    %add3A_302 = arith.addi %mul3A_2, %add3A_301 : i32
    %dma_start3A_303 = arith.constant 0 : i32
    %dma_start3A_304 = arith.constant 0 : i32
    %dma_start3A_305 = tpu.memref_slice %arg4[%add3A_302, %dma_start3A_303, %dma_start3A_304] : memref<16384x200x128xf32, #tpu.memory_space<hbm>> -> memref<4x200x64xf32, #tpu.memory_space<hbm>>
    %dma_start3A_306 = arith.constant 0 : i32
    %dma_start3A_307 = arith.constant 0 : i32
    %dma_start3A_308 = tpu.memref_slice %arg4[%add3A_302, %dma_start3A_306, %dma_start3A_307] : memref<16384x200x128xf32, #tpu.memory_space<hbm>> -> memref<4x200x64xf32, #tpu.memory_space<hbm>>
    tpu.enqueue_dma source(%arg7 : memref<4x200x64xf32, #tpu.memory_space<vmem>>) target(%dma_start3A_308 : memref<4x200x64xf32, #tpu.memory_space<hbm>>) target_semaphore(%arg11 : memref<!tpu.dma_semaphore, #tpu.memory_space<semaphore_mem>>)
    %add3A_309 = arith.constant 8 : i32
    %add3A_310 = arith.addi %mul3A_2, %add3A_309 : i32
    %dma_start3A_311 = arith.constant 0 : i32
    %dma_start3A_312 = tpu.memref_slice %arg2[%add3A_310, %dma_start3A_311] : memref<16384x200xi32, #tpu.memory_space<hbm>> -> memref<4x200xi32, #tpu.memory_space<hbm>>
    %dma_start3A_313 = arith.constant 0 : i32
    %dma_start3A_314 = tpu.memref_slice %arg2[%add3A_310, %dma_start3A_313] : memref<16384x200xi32, #tpu.memory_space<hbm>> -> memref<4x200xi32, #tpu.memory_space<hbm>>
    tpu.enqueue_dma source(%dma_start3A_314 : memref<4x200xi32, #tpu.memory_space<hbm>>) target(%arg5 : memref<4x200xi32, #tpu.memory_space<vmem>>) target_semaphore(%arg13 : memref<!tpu.dma_semaphore, #tpu.memory_space<semaphore_mem>>)
    %scan3A = arith.constant 0 : i32
    %scan3A_315 = arith.constant 1 : i32
    %scan3A_316 = arith.constant 63 : i32
    %scan3A_317 = arith.addi %scan3A_315, %scan3A_316 : i32
    %scan3A_318 = arith.constant 1 : i32
    scf.for %scan3A_446 = %scan3A_315 to %scan3A_317 step %scan3A_318  : i32 {
      %mul3A_447 = arith.constant 2 : i32
      %mul3A_448 = arith.muli %mul3A_447, %scan3A_446 : i32
      %dma_wait3A_449 = arith.constant 0 : i32
      %dma_wait3A_450 = arith.constant 0 : i32
      %dma_wait3A_451 = arith.constant 0 : i32
      %dma_wait3A_452 = tpu.memref_slice %arg4[%dma_wait3A_449, %dma_wait3A_450, %dma_wait3A_451] : memref<16384x200x128xf32, #tpu.memory_space<hbm>> -> memref<4x200x64xf32, #tpu.memory_space<hbm>>
      %dma_wait3A_453 = arith.constant 0 : i32
      %dma_wait3A_454 = arith.constant 0 : i32
      %dma_wait3A_455 = arith.constant 0 : i32
      %dma_wait3A_456 = tpu.memref_slice %arg4[%dma_wait3A_453, %dma_wait3A_454, %dma_wait3A_455] : memref<16384x200x128xf32, #tpu.memory_space<hbm>> -> memref<4x200x64xf32, #tpu.memory_space<hbm>>
      tpu.wait_dma2 semaphore(%arg11 : memref<!tpu.dma_semaphore, #tpu.memory_space<semaphore_mem>>) src(%arg7 : memref<4x200x64xf32, #tpu.memory_space<vmem>>) dst(%dma_wait3A_456 : memref<4x200x64xf32, #tpu.memory_space<hbm>>)
      %dma_wait3A_457 = arith.constant 0 : i32
      %dma_wait3A_458 = arith.constant 0 : i32
      %dma_wait3A_459 = tpu.memref_slice %arg2[%dma_wait3A_457, %dma_wait3A_458] : memref<16384x200xi32, #tpu.memory_space<hbm>> -> memref<4x200xi32, #tpu.memory_space<hbm>>
      %dma_wait3A_460 = arith.constant 0 : i32
      %dma_wait3A_461 = arith.constant 0 : i32
      %dma_wait3A_462 = tpu.memref_slice %arg2[%dma_wait3A_460, %dma_wait3A_461] : memref<16384x200xi32, #tpu.memory_space<hbm>> -> memref<4x200xi32, #tpu.memory_space<hbm>>
      tpu.wait_dma2 semaphore(%arg13 : memref<!tpu.dma_semaphore, #tpu.memory_space<semaphore_mem>>) src(%dma_wait3A_462 : memref<4x200xi32, #tpu.memory_space<hbm>>) dst(%arg5 : memref<4x200xi32, #tpu.memory_space<vmem>>)
      %dma_start3A_463 = arith.constant 0 : i32
      %dma_start3A_464 = arith.constant 0 : i32
      %dma_start3A_465 = arith.constant 0 : i32
      %dma_start3A_466 = arith.constant 0 : i32
      %dma_start3A_467 = tpu.memref_slice %arg7[%dma_start3A_464, %dma_start3A_465, %dma_start3A_466] : memref<4x200x64xf32, #tpu.memory_space<vmem>> -> memref<1x128x64xf32, #tpu.memory_space<vmem>>
      %dma_start3A_468 = tpu.memref_squeeze %dma_start3A_467 : memref<1x128x64xf32, #tpu.memory_space<vmem>> -> memref<128x64xf32, #tpu.memory_space<vmem>>
      %dma_start3A_469 = arith.constant 0 : i32
      %dma_start3A_470 = tpu.memref_slice %arg5[%dma_start3A_463, %dma_start3A_469] : memref<4x200xi32, #tpu.memory_space<vmem>> -> memref<1x128xi32, #tpu.memory_space<vmem>>
      %dma_start3A_471 = tpu.memref_squeeze %dma_start3A_470 : memref<1x128xi32, #tpu.memory_space<vmem>> -> memref<128xi32, #tpu.memory_space<vmem>>
      %dma_start3A_472 = arith.constant 0 : i32
      %dma_start3A_473 = arith.constant 0 : i32
      %dma_start3A_474 = tpu.memref_slice %arg3[%dma_start3A_472, %dma_start3A_473] : memref<1000000x64xf32, #tpu.memory_space<hbm>> -> memref<1000000x64xf32, #tpu.memory_space<hbm>>
      tpu.enqueue_indirect_dma source(%dma_start3A_474 : memref<1000000x64xf32, #tpu.memory_space<hbm>>) target(%dma_start3A_468 : memref<128x64xf32, #tpu.memory_space<vmem>>) offsets(%dma_start3A_471 : memref<128xi32, #tpu.memory_space<vmem>>) semaphore(%arg9 : memref<!tpu.dma_semaphore, #tpu.memory_space<semaphore_mem>>)
      %dma_start3A_475 = arith.constant 0 : i32
      %dma_start3A_476 = arith.constant 0 : i32
      %dma_start3A_477 = arith.constant 128 : i32
      %dma_start3A_478 = arith.constant 0 : i32
      %dma_start3A_479 = tpu.memref_slice %arg7[%dma_start3A_476, %dma_start3A_477, %dma_start3A_478] : memref<4x200x64xf32, #tpu.memory_space<vmem>> -> memref<1x72x64xf32, #tpu.memory_space<vmem>>
      %dma_start3A_480 = tpu.memref_squeeze %dma_start3A_479 : memref<1x72x64xf32, #tpu.memory_space<vmem>> -> memref<72x64xf32, #tpu.memory_space<vmem>>
      %dma_start3A_481 = arith.constant 128 : i32
      %dma_start3A_482 = tpu.memref_slice %arg5[%dma_start3A_475, %dma_start3A_481] : memref<4x200xi32, #tpu.memory_space<vmem>> -> memref<1x72xi32, #tpu.memory_space<vmem>>
      %dma_start3A_483 = tpu.memref_squeeze %dma_start3A_482 : memref<1x72xi32, #tpu.memory_space<vmem>> -> memref<72xi32, #tpu.memory_space<vmem>>
      %dma_start3A_484 = arith.constant 0 : i32
      %dma_start3A_485 = arith.constant 0 : i32
      %dma_start3A_486 = tpu.memref_slice %arg3[%dma_start3A_484, %dma_start3A_485] : memref<1000000x64xf32, #tpu.memory_space<hbm>> -> memref<1000000x64xf32, #tpu.memory_space<hbm>>
      tpu.enqueue_indirect_dma source(%dma_start3A_486 : memref<1000000x64xf32, #tpu.memory_space<hbm>>) target(%dma_start3A_480 : memref<72x64xf32, #tpu.memory_space<vmem>>) offsets(%dma_start3A_483 : memref<72xi32, #tpu.memory_space<vmem>>) semaphore(%arg9 : memref<!tpu.dma_semaphore, #tpu.memory_space<semaphore_mem>>)
      %dma_start3A_487 = arith.constant 1 : i32
      %dma_start3A_488 = arith.constant 1 : i32
      %dma_start3A_489 = arith.constant 0 : i32
      %dma_start3A_490 = arith.constant 0 : i32
      %dma_start3A_491 = tpu.memref_slice %arg7[%dma_start3A_488, %dma_start3A_489, %dma_start3A_490] : memref<4x200x64xf32, #tpu.memory_space<vmem>> -> memref<1x128x64xf32, #tpu.memory_space<vmem>>
      %dma_start3A_492 = tpu.memref_squeeze %dma_start3A_491 : memref<1x128x64xf32, #tpu.memory_space<vmem>> -> memref<128x64xf32, #tpu.memory_space<vmem>>
      %dma_start3A_493 = arith.constant 0 : i32
      %dma_start3A_494 = tpu.memref_slice %arg5[%dma_start3A_487, %dma_start3A_493] : memref<4x200xi32, #tpu.memory_space<vmem>> -> memref<1x128xi32, #tpu.memory_space<vmem>>
      %dma_start3A_495 = tpu.memref_squeeze %dma_start3A_494 : memref<1x128xi32, #tpu.memory_space<vmem>> -> memref<128xi32, #tpu.memory_space<vmem>>
      %dma_start3A_496 = arith.constant 0 : i32
      %dma_start3A_497 = arith.constant 0 : i32
      %dma_start3A_498 = tpu.memref_slice %arg3[%dma_start3A_496, %dma_start3A_497] : memref<1000000x64xf32, #tpu.memory_space<hbm>> -> memref<1000000x64xf32, #tpu.memory_space<hbm>>
      tpu.enqueue_indirect_dma source(%dma_start3A_498 : memref<1000000x64xf32, #tpu.memory_space<hbm>>) target(%dma_start3A_492 : memref<128x64xf32, #tpu.memory_space<vmem>>) offsets(%dma_start3A_495 : memref<128xi32, #tpu.memory_space<vmem>>) semaphore(%arg9 : memref<!tpu.dma_semaphore, #tpu.memory_space<semaphore_mem>>)
      %dma_start3A_499 = arith.constant 1 : i32
      %dma_start3A_500 = arith.constant 1 : i32
      %dma_start3A_501 = arith.constant 128 : i32
      %dma_start3A_502 = arith.constant 0 : i32
      %dma_start3A_503 = tpu.memref_slice %arg7[%dma_start3A_500, %dma_start3A_501, %dma_start3A_502] : memref<4x200x64xf32, #tpu.memory_space<vmem>> -> memref<1x72x64xf32, #tpu.memory_space<vmem>>
      %dma_start3A_504 = tpu.memref_squeeze %dma_start3A_503 : memref<1x72x64xf32, #tpu.memory_space<vmem>> -> memref<72x64xf32, #tpu.memory_space<vmem>>
      %dma_start3A_505 = arith.constant 128 : i32
      %dma_start3A_506 = tpu.memref_slice %arg5[%dma_start3A_499, %dma_start3A_505] : memref<4x200xi32, #tpu.memory_space<vmem>> -> memref<1x72xi32, #tpu.memory_space<vmem>>
      %dma_start3A_507 = tpu.memref_squeeze %dma_start3A_506 : memref<1x72xi32, #tpu.memory_space<vmem>> -> memref<72xi32, #tpu.memory_space<vmem>>
      %dma_start3A_508 = arith.constant 0 : i32
      %dma_start3A_509 = arith.constant 0 : i32
      %dma_start3A_510 = tpu.memref_slice %arg3[%dma_start3A_508, %dma_start3A_509] : memref<1000000x64xf32, #tpu.memory_space<hbm>> -> memref<1000000x64xf32, #tpu.memory_space<hbm>>
      tpu.enqueue_indirect_dma source(%dma_start3A_510 : memref<1000000x64xf32, #tpu.memory_space<hbm>>) target(%dma_start3A_504 : memref<72x64xf32, #tpu.memory_space<vmem>>) offsets(%dma_start3A_507 : memref<72xi32, #tpu.memory_space<vmem>>) semaphore(%arg9 : memref<!tpu.dma_semaphore, #tpu.memory_space<semaphore_mem>>)
      %dma_start3A_511 = arith.constant 2 : i32
      %dma_start3A_512 = arith.constant 2 : i32
      %dma_start3A_513 = arith.constant 0 : i32
      %dma_start3A_514 = arith.constant 0 : i32
      %dma_start3A_515 = tpu.memref_slice %arg7[%dma_start3A_512, %dma_start3A_513, %dma_start3A_514] : memref<4x200x64xf32, #tpu.memory_space<vmem>> -> memref<1x128x64xf32, #tpu.memory_space<vmem>>
      %dma_start3A_516 = tpu.memref_squeeze %dma_start3A_515 : memref<1x128x64xf32, #tpu.memory_space<vmem>> -> memref<128x64xf32, #tpu.memory_space<vmem>>
      %dma_start3A_517 = arith.constant 0 : i32
      %dma_start3A_518 = tpu.memref_slice %arg5[%dma_start3A_511, %dma_start3A_517] : memref<4x200xi32, #tpu.memory_space<vmem>> -> memref<1x128xi32, #tpu.memory_space<vmem>>
      %dma_start3A_519 = tpu.memref_squeeze %dma_start3A_518 : memref<1x128xi32, #tpu.memory_space<vmem>> -> memref<128xi32, #tpu.memory_space<vmem>>
      %dma_start3A_520 = arith.constant 0 : i32
      %dma_start3A_521 = arith.constant 0 : i32
      %dma_start3A_522 = tpu.memref_slice %arg3[%dma_start3A_520, %dma_start3A_521] : memref<1000000x64xf32, #tpu.memory_space<hbm>> -> memref<1000000x64xf32, #tpu.memory_space<hbm>>
      tpu.enqueue_indirect_dma source(%dma_start3A_522 : memref<1000000x64xf32, #tpu.memory_space<hbm>>) target(%dma_start3A_516 : memref<128x64xf32, #tpu.memory_space<vmem>>) offsets(%dma_start3A_519 : memref<128xi32, #tpu.memory_space<vmem>>) semaphore(%arg9 : memref<!tpu.dma_semaphore, #tpu.memory_space<semaphore_mem>>)
      %dma_start3A_523 = arith.constant 2 : i32
      %dma_start3A_524 = arith.constant 2 : i32
      %dma_start3A_525 = arith.constant 128 : i32
      %dma_start3A_526 = arith.constant 0 : i32
      %dma_start3A_527 = tpu.memref_slice %arg7[%dma_start3A_524, %dma_start3A_525, %dma_start3A_526] : memref<4x200x64xf32, #tpu.memory_space<vmem>> -> memref<1x72x64xf32, #tpu.memory_space<vmem>>
      %dma_start3A_528 = tpu.memref_squeeze %dma_start3A_527 : memref<1x72x64xf32, #tpu.memory_space<vmem>> -> memref<72x64xf32, #tpu.memory_space<vmem>>
      %dma_start3A_529 = arith.constant 128 : i32
      %dma_start3A_530 = tpu.memref_slice %arg5[%dma_start3A_523, %dma_start3A_529] : memref<4x200xi32, #tpu.memory_space<vmem>> -> memref<1x72xi32, #tpu.memory_space<vmem>>
      %dma_start3A_531 = tpu.memref_squeeze %dma_start3A_530 : memref<1x72xi32, #tpu.memory_space<vmem>> -> memref<72xi32, #tpu.memory_space<vmem>>
      %dma_start3A_532 = arith.constant 0 : i32
      %dma_start3A_533 = arith.constant 0 : i32
      %dma_start3A_534 = tpu.memref_slice %arg3[%dma_start3A_532, %dma_start3A_533] : memref<1000000x64xf32, #tpu.memory_space<hbm>> -> memref<1000000x64xf32, #tpu.memory_space<hbm>>
      tpu.enqueue_indirect_dma source(%dma_start3A_534 : memref<1000000x64xf32, #tpu.memory_space<hbm>>) target(%dma_start3A_528 : memref<72x64xf32, #tpu.memory_space<vmem>>) offsets(%dma_start3A_531 : memref<72xi32, #tpu.memory_space<vmem>>) semaphore(%arg9 : memref<!tpu.dma_semaphore, #tpu.memory_space<semaphore_mem>>)
      %dma_start3A_535 = arith.constant 3 : i32
      %dma_start3A_536 = arith.constant 3 : i32
      %dma_start3A_537 = arith.constant 0 : i32
      %dma_start3A_538 = arith.constant 0 : i32
      %dma_start3A_539 = tpu.memref_slice %arg7[%dma_start3A_536, %dma_start3A_537, %dma_start3A_538] : memref<4x200x64xf32, #tpu.memory_space<vmem>> -> memref<1x128x64xf32, #tpu.memory_space<vmem>>
      %dma_start3A_540 = tpu.memref_squeeze %dma_start3A_539 : memref<1x128x64xf32, #tpu.memory_space<vmem>> -> memref<128x64xf32, #tpu.memory_space<vmem>>
      %dma_start3A_541 = arith.constant 0 : i32
      %dma_start3A_542 = tpu.memref_slice %arg5[%dma_start3A_535, %dma_start3A_541] : memref<4x200xi32, #tpu.memory_space<vmem>> -> memref<1x128xi32, #tpu.memory_space<vmem>>
      %dma_start3A_543 = tpu.memref_squeeze %dma_start3A_542 : memref<1x128xi32, #tpu.memory_space<vmem>> -> memref<128xi32, #tpu.memory_space<vmem>>
      %dma_start3A_544 = arith.constant 0 : i32
      %dma_start3A_545 = arith.constant 0 : i32
      %dma_start3A_546 = tpu.memref_slice %arg3[%dma_start3A_544, %dma_start3A_545] : memref<1000000x64xf32, #tpu.memory_space<hbm>> -> memref<1000000x64xf32, #tpu.memory_space<hbm>>
      tpu.enqueue_indirect_dma source(%dma_start3A_546 : memref<1000000x64xf32, #tpu.memory_space<hbm>>) target(%dma_start3A_540 : memref<128x64xf32, #tpu.memory_space<vmem>>) offsets(%dma_start3A_543 : memref<128xi32, #tpu.memory_space<vmem>>) semaphore(%arg9 : memref<!tpu.dma_semaphore, #tpu.memory_space<semaphore_mem>>)
      %dma_start3A_547 = arith.constant 3 : i32
      %dma_start3A_548 = arith.constant 3 : i32
      %dma_start3A_549 = arith.constant 128 : i32
      %dma_start3A_550 = arith.constant 0 : i32
      %dma_start3A_551 = tpu.memref_slice %arg7[%dma_start3A_548, %dma_start3A_549, %dma_start3A_550] : memref<4x200x64xf32, #tpu.memory_space<vmem>> -> memref<1x72x64xf32, #tpu.memory_space<vmem>>
      %dma_start3A_552 = tpu.memref_squeeze %dma_start3A_551 : memref<1x72x64xf32, #tpu.memory_space<vmem>> -> memref<72x64xf32, #tpu.memory_space<vmem>>
      %dma_start3A_553 = arith.constant 128 : i32
      %dma_start3A_554 = tpu.memref_slice %arg5[%dma_start3A_547, %dma_start3A_553] : memref<4x200xi32, #tpu.memory_space<vmem>> -> memref<1x72xi32, #tpu.memory_space<vmem>>
      %dma_start3A_555 = tpu.memref_squeeze %dma_start3A_554 : memref<1x72xi32, #tpu.memory_space<vmem>> -> memref<72xi32, #tpu.memory_space<vmem>>
      %dma_start3A_556 = arith.constant 0 : i32
      %dma_start3A_557 = arith.constant 0 : i32
      %dma_start3A_558 = tpu.memref_slice %arg3[%dma_start3A_556, %dma_start3A_557] : memref<1000000x64xf32, #tpu.memory_space<hbm>> -> memref<1000000x64xf32, #tpu.memory_space<hbm>>
      tpu.enqueue_indirect_dma source(%dma_start3A_558 : memref<1000000x64xf32, #tpu.memory_space<hbm>>) target(%dma_start3A_552 : memref<72x64xf32, #tpu.memory_space<vmem>>) offsets(%dma_start3A_555 : memref<72xi32, #tpu.memory_space<vmem>>) semaphore(%arg9 : memref<!tpu.dma_semaphore, #tpu.memory_space<semaphore_mem>>)
      %dma_wait3A_559 = arith.constant 0 : i32
      %dma_wait3A_560 = arith.constant 0 : i32
      %dma_wait3A_561 = arith.constant 0 : i32
      %dma_wait3A_562 = arith.constant 0 : i32
      %dma_wait3A_563 = tpu.memref_slice %arg8[%dma_wait3A_560, %dma_wait3A_561, %dma_wait3A_562] : memref<4x200x64xf32, #tpu.memory_space<vmem>> -> memref<1x128x64xf32, #tpu.memory_space<vmem>>
      %dma_wait3A_564 = tpu.memref_squeeze %dma_wait3A_563 : memref<1x128x64xf32, #tpu.memory_space<vmem>> -> memref<128x64xf32, #tpu.memory_space<vmem>>
      %dma_wait3A_565 = arith.constant 0 : i32
      %dma_wait3A_566 = tpu.memref_slice %arg6[%dma_wait3A_559, %dma_wait3A_565] : memref<4x200xi32, #tpu.memory_space<vmem>> -> memref<1x128xi32, #tpu.memory_space<vmem>>
      %dma_wait3A_567 = tpu.memref_squeeze %dma_wait3A_566 : memref<1x128xi32, #tpu.memory_space<vmem>> -> memref<128xi32, #tpu.memory_space<vmem>>
      %dma_wait3A_568 = arith.constant 0 : i32
      %dma_wait3A_569 = arith.constant 0 : i32
      %dma_wait3A_570 = tpu.memref_slice %arg3[%dma_wait3A_568, %dma_wait3A_569] : memref<1000000x64xf32, #tpu.memory_space<hbm>> -> memref<1000000x64xf32, #tpu.memory_space<hbm>>
      tpu.wait_indirect_dma semaphore(%arg10 : memref<!tpu.dma_semaphore, #tpu.memory_space<semaphore_mem>>) src(%dma_wait3A_570 : memref<1000000x64xf32, #tpu.memory_space<hbm>>) dst(%dma_wait3A_564 : memref<128x64xf32, #tpu.memory_space<vmem>>)
      %dma_wait3A_571 = arith.constant 0 : i32
      %dma_wait3A_572 = arith.constant 0 : i32
      %dma_wait3A_573 = arith.constant 128 : i32
      %dma_wait3A_574 = arith.constant 0 : i32
      %dma_wait3A_575 = tpu.memref_slice %arg8[%dma_wait3A_572, %dma_wait3A_573, %dma_wait3A_574] : memref<4x200x64xf32, #tpu.memory_space<vmem>> -> memref<1x72x64xf32, #tpu.memory_space<vmem>>
      %dma_wait3A_576 = tpu.memref_squeeze %dma_wait3A_575 : memref<1x72x64xf32, #tpu.memory_space<vmem>> -> memref<72x64xf32, #tpu.memory_space<vmem>>
      %dma_wait3A_577 = arith.constant 128 : i32
      %dma_wait3A_578 = tpu.memref_slice %arg6[%dma_wait3A_571, %dma_wait3A_577] : memref<4x200xi32, #tpu.memory_space<vmem>> -> memref<1x72xi32, #tpu.memory_space<vmem>>
      %dma_wait3A_579 = tpu.memref_squeeze %dma_wait3A_578 : memref<1x72xi32, #tpu.memory_space<vmem>> -> memref<72xi32, #tpu.memory_space<vmem>>
      %dma_wait3A_580 = arith.constant 0 : i32
      %dma_wait3A_581 = arith.constant 0 : i32
      %dma_wait3A_582 = tpu.memref_slice %arg3[%dma_wait3A_580, %dma_wait3A_581] : memref<1000000x64xf32, #tpu.memory_space<hbm>> -> memref<1000000x64xf32, #tpu.memory_space<hbm>>
      tpu.wait_indirect_dma semaphore(%arg10 : memref<!tpu.dma_semaphore, #tpu.memory_space<semaphore_mem>>) src(%dma_wait3A_582 : memref<1000000x64xf32, #tpu.memory_space<hbm>>) dst(%dma_wait3A_576 : memref<72x64xf32, #tpu.memory_space<vmem>>)
      %dma_wait3A_583 = arith.constant 1 : i32
      %dma_wait3A_584 = arith.constant 1 : i32
      %dma_wait3A_585 = arith.constant 0 : i32
      %dma_wait3A_586 = arith.constant 0 : i32
      %dma_wait3A_587 = tpu.memref_slice %arg8[%dma_wait3A_584, %dma_wait3A_585, %dma_wait3A_586] : memref<4x200x64xf32, #tpu.memory_space<vmem>> -> memref<1x128x64xf32, #tpu.memory_space<vmem>>
      %dma_wait3A_588 = tpu.memref_squeeze %dma_wait3A_587 : memref<1x128x64xf32, #tpu.memory_space<vmem>> -> memref<128x64xf32, #tpu.memory_space<vmem>>
      %dma_wait3A_589 = arith.constant 0 : i32
      %dma_wait3A_590 = tpu.memref_slice %arg6[%dma_wait3A_583, %dma_wait3A_589] : memref<4x200xi32, #tpu.memory_space<vmem>> -> memref<1x128xi32, #tpu.memory_space<vmem>>
      %dma_wait3A_591 = tpu.memref_squeeze %dma_wait3A_590 : memref<1x128xi32, #tpu.memory_space<vmem>> -> memref<128xi32, #tpu.memory_space<vmem>>
      %dma_wait3A_592 = arith.constant 0 : i32
      %dma_wait3A_593 = arith.constant 0 : i32
      %dma_wait3A_594 = tpu.memref_slice %arg3[%dma_wait3A_592, %dma_wait3A_593] : memref<1000000x64xf32, #tpu.memory_space<hbm>> -> memref<1000000x64xf32, #tpu.memory_space<hbm>>
      tpu.wait_indirect_dma semaphore(%arg10 : memref<!tpu.dma_semaphore, #tpu.memory_space<semaphore_mem>>) src(%dma_wait3A_594 : memref<1000000x64xf32, #tpu.memory_space<hbm>>) dst(%dma_wait3A_588 : memref<128x64xf32, #tpu.memory_space<vmem>>)
      %dma_wait3A_595 = arith.constant 1 : i32
      %dma_wait3A_596 = arith.constant 1 : i32
      %dma_wait3A_597 = arith.constant 128 : i32
      %dma_wait3A_598 = arith.constant 0 : i32
      %dma_wait3A_599 = tpu.memref_slice %arg8[%dma_wait3A_596, %dma_wait3A_597, %dma_wait3A_598] : memref<4x200x64xf32, #tpu.memory_space<vmem>> -> memref<1x72x64xf32, #tpu.memory_space<vmem>>
      %dma_wait3A_600 = tpu.memref_squeeze %dma_wait3A_599 : memref<1x72x64xf32, #tpu.memory_space<vmem>> -> memref<72x64xf32, #tpu.memory_space<vmem>>
      %dma_wait3A_601 = arith.constant 128 : i32
      %dma_wait3A_602 = tpu.memref_slice %arg6[%dma_wait3A_595, %dma_wait3A_601] : memref<4x200xi32, #tpu.memory_space<vmem>> -> memref<1x72xi32, #tpu.memory_space<vmem>>
      %dma_wait3A_603 = tpu.memref_squeeze %dma_wait3A_602 : memref<1x72xi32, #tpu.memory_space<vmem>> -> memref<72xi32, #tpu.memory_space<vmem>>
      %dma_wait3A_604 = arith.constant 0 : i32
      %dma_wait3A_605 = arith.constant 0 : i32
      %dma_wait3A_606 = tpu.memref_slice %arg3[%dma_wait3A_604, %dma_wait3A_605] : memref<1000000x64xf32, #tpu.memory_space<hbm>> -> memref<1000000x64xf32, #tpu.memory_space<hbm>>
      tpu.wait_indirect_dma semaphore(%arg10 : memref<!tpu.dma_semaphore, #tpu.memory_space<semaphore_mem>>) src(%dma_wait3A_606 : memref<1000000x64xf32, #tpu.memory_space<hbm>>) dst(%dma_wait3A_600 : memref<72x64xf32, #tpu.memory_space<vmem>>)
      %dma_wait3A_607 = arith.constant 2 : i32
      %dma_wait3A_608 = arith.constant 2 : i32
      %dma_wait3A_609 = arith.constant 0 : i32
      %dma_wait3A_610 = arith.constant 0 : i32
      %dma_wait3A_611 = tpu.memref_slice %arg8[%dma_wait3A_608, %dma_wait3A_609, %dma_wait3A_610] : memref<4x200x64xf32, #tpu.memory_space<vmem>> -> memref<1x128x64xf32, #tpu.memory_space<vmem>>
      %dma_wait3A_612 = tpu.memref_squeeze %dma_wait3A_611 : memref<1x128x64xf32, #tpu.memory_space<vmem>> -> memref<128x64xf32, #tpu.memory_space<vmem>>
      %dma_wait3A_613 = arith.constant 0 : i32
      %dma_wait3A_614 = tpu.memref_slice %arg6[%dma_wait3A_607, %dma_wait3A_613] : memref<4x200xi32, #tpu.memory_space<vmem>> -> memref<1x128xi32, #tpu.memory_space<vmem>>
      %dma_wait3A_615 = tpu.memref_squeeze %dma_wait3A_614 : memref<1x128xi32, #tpu.memory_space<vmem>> -> memref<128xi32, #tpu.memory_space<vmem>>
      %dma_wait3A_616 = arith.constant 0 : i32
      %dma_wait3A_617 = arith.constant 0 : i32
      %dma_wait3A_618 = tpu.memref_slice %arg3[%dma_wait3A_616, %dma_wait3A_617] : memref<1000000x64xf32, #tpu.memory_space<hbm>> -> memref<1000000x64xf32, #tpu.memory_space<hbm>>
      tpu.wait_indirect_dma semaphore(%arg10 : memref<!tpu.dma_semaphore, #tpu.memory_space<semaphore_mem>>) src(%dma_wait3A_618 : memref<1000000x64xf32, #tpu.memory_space<hbm>>) dst(%dma_wait3A_612 : memref<128x64xf32, #tpu.memory_space<vmem>>)
      %dma_wait3A_619 = arith.constant 2 : i32
      %dma_wait3A_620 = arith.constant 2 : i32
      %dma_wait3A_621 = arith.constant 128 : i32
      %dma_wait3A_622 = arith.constant 0 : i32
      %dma_wait3A_623 = tpu.memref_slice %arg8[%dma_wait3A_620, %dma_wait3A_621, %dma_wait3A_622] : memref<4x200x64xf32, #tpu.memory_space<vmem>> -> memref<1x72x64xf32, #tpu.memory_space<vmem>>
      %dma_wait3A_624 = tpu.memref_squeeze %dma_wait3A_623 : memref<1x72x64xf32, #tpu.memory_space<vmem>> -> memref<72x64xf32, #tpu.memory_space<vmem>>
      %dma_wait3A_625 = arith.constant 128 : i32
      %dma_wait3A_626 = tpu.memref_slice %arg6[%dma_wait3A_619, %dma_wait3A_625] : memref<4x200xi32, #tpu.memory_space<vmem>> -> memref<1x72xi32, #tpu.memory_space<vmem>>
      %dma_wait3A_627 = tpu.memref_squeeze %dma_wait3A_626 : memref<1x72xi32, #tpu.memory_space<vmem>> -> memref<72xi32, #tpu.memory_space<vmem>>
      %dma_wait3A_628 = arith.constant 0 : i32
      %dma_wait3A_629 = arith.constant 0 : i32
      %dma_wait3A_630 = tpu.memref_slice %arg3[%dma_wait3A_628, %dma_wait3A_629] : memref<1000000x64xf32, #tpu.memory_space<hbm>> -> memref<1000000x64xf32, #tpu.memory_space<hbm>>
      tpu.wait_indirect_dma semaphore(%arg10 : memref<!tpu.dma_semaphore, #tpu.memory_space<semaphore_mem>>) src(%dma_wait3A_630 : memref<1000000x64xf32, #tpu.memory_space<hbm>>) dst(%dma_wait3A_624 : memref<72x64xf32, #tpu.memory_space<vmem>>)
      %dma_wait3A_631 = arith.constant 3 : i32
      %dma_wait3A_632 = arith.constant 3 : i32
      %dma_wait3A_633 = arith.constant 0 : i32
      %dma_wait3A_634 = arith.constant 0 : i32
      %dma_wait3A_635 = tpu.memref_slice %arg8[%dma_wait3A_632, %dma_wait3A_633, %dma_wait3A_634] : memref<4x200x64xf32, #tpu.memory_space<vmem>> -> memref<1x128x64xf32, #tpu.memory_space<vmem>>
      %dma_wait3A_636 = tpu.memref_squeeze %dma_wait3A_635 : memref<1x128x64xf32, #tpu.memory_space<vmem>> -> memref<128x64xf32, #tpu.memory_space<vmem>>
      %dma_wait3A_637 = arith.constant 0 : i32
      %dma_wait3A_638 = tpu.memref_slice %arg6[%dma_wait3A_631, %dma_wait3A_637] : memref<4x200xi32, #tpu.memory_space<vmem>> -> memref<1x128xi32, #tpu.memory_space<vmem>>
      %dma_wait3A_639 = tpu.memref_squeeze %dma_wait3A_638 : memref<1x128xi32, #tpu.memory_space<vmem>> -> memref<128xi32, #tpu.memory_space<vmem>>
      %dma_wait3A_640 = arith.constant 0 : i32
      %dma_wait3A_641 = arith.constant 0 : i32
      %dma_wait3A_642 = tpu.memref_slice %arg3[%dma_wait3A_640, %dma_wait3A_641] : memref<1000000x64xf32, #tpu.memory_space<hbm>> -> memref<1000000x64xf32, #tpu.memory_space<hbm>>
      tpu.wait_indirect_dma semaphore(%arg10 : memref<!tpu.dma_semaphore, #tpu.memory_space<semaphore_mem>>) src(%dma_wait3A_642 : memref<1000000x64xf32, #tpu.memory_space<hbm>>) dst(%dma_wait3A_636 : memref<128x64xf32, #tpu.memory_space<vmem>>)
      %dma_wait3A_643 = arith.constant 3 : i32
      %dma_wait3A_644 = arith.constant 3 : i32
      %dma_wait3A_645 = arith.constant 128 : i32
      %dma_wait3A_646 = arith.constant 0 : i32
      %dma_wait3A_647 = tpu.memref_slice %arg8[%dma_wait3A_644, %dma_wait3A_645, %dma_wait3A_646] : memref<4x200x64xf32, #tpu.memory_space<vmem>> -> memref<1x72x64xf32, #tpu.memory_space<vmem>>
      %dma_wait3A_648 = tpu.memref_squeeze %dma_wait3A_647 : memref<1x72x64xf32, #tpu.memory_space<vmem>> -> memref<72x64xf32, #tpu.memory_space<vmem>>
      %dma_wait3A_649 = arith.constant 128 : i32
      %dma_wait3A_650 = tpu.memref_slice %arg6[%dma_wait3A_643, %dma_wait3A_649] : memref<4x200xi32, #tpu.memory_space<vmem>> -> memref<1x72xi32, #tpu.memory_space<vmem>>
      %dma_wait3A_651 = tpu.memref_squeeze %dma_wait3A_650 : memref<1x72xi32, #tpu.memory_space<vmem>> -> memref<72xi32, #tpu.memory_space<vmem>>
      %dma_wait3A_652 = arith.constant 0 : i32
      %dma_wait3A_653 = arith.constant 0 : i32
      %dma_wait3A_654 = tpu.memref_slice %arg3[%dma_wait3A_652, %dma_wait3A_653] : memref<1000000x64xf32, #tpu.memory_space<hbm>> -> memref<1000000x64xf32, #tpu.memory_space<hbm>>
      tpu.wait_indirect_dma semaphore(%arg10 : memref<!tpu.dma_semaphore, #tpu.memory_space<semaphore_mem>>) src(%dma_wait3A_654 : memref<1000000x64xf32, #tpu.memory_space<hbm>>) dst(%dma_wait3A_648 : memref<72x64xf32, #tpu.memory_space<vmem>>)
      %sub3A = arith.constant 1 : i32
      %sub3A_655 = arith.subi %mul3A_448, %sub3A : i32
      %mul3A_656 = arith.constant 4 : i32
      %mul3A_657 = arith.muli %sub3A_655, %mul3A_656 : i32
      %add3A_658 = arith.addi %mul3A_2, %mul3A_657 : i32
      %dma_start3A_659 = arith.constant 0 : i32
      %dma_start3A_660 = arith.constant 0 : i32
      %dma_start3A_661 = tpu.memref_slice %arg4[%add3A_658, %dma_start3A_659, %dma_start3A_660] : memref<16384x200x128xf32, #tpu.memory_space<hbm>> -> memref<4x200x64xf32, #tpu.memory_space<hbm>>
      %dma_start3A_662 = arith.constant 0 : i32
      %dma_start3A_663 = arith.constant 0 : i32
      %dma_start3A_664 = tpu.memref_slice %arg4[%add3A_658, %dma_start3A_662, %dma_start3A_663] : memref<16384x200x128xf32, #tpu.memory_space<hbm>> -> memref<4x200x64xf32, #tpu.memory_space<hbm>>
      tpu.enqueue_dma source(%arg8 : memref<4x200x64xf32, #tpu.memory_space<vmem>>) target(%dma_start3A_664 : memref<4x200x64xf32, #tpu.memory_space<hbm>>) target_semaphore(%arg12 : memref<!tpu.dma_semaphore, #tpu.memory_space<semaphore_mem>>)
      %add3A_665 = arith.constant 1 : i32
      %add3A_666 = arith.addi %mul3A_448, %add3A_665 : i32
      %min3A = arith.constant 127 : i32
      %min3A_667 = arith.minsi %add3A_666, %min3A : i32
      %mul3A_668 = arith.constant 4 : i32
      %mul3A_669 = arith.muli %min3A_667, %mul3A_668 : i32
      %add3A_670 = arith.addi %mul3A_2, %mul3A_669 : i32
      %dma_start3A_671 = arith.constant 0 : i32
      %dma_start3A_672 = tpu.memref_slice %arg2[%add3A_670, %dma_start3A_671] : memref<16384x200xi32, #tpu.memory_space<hbm>> -> memref<4x200xi32, #tpu.memory_space<hbm>>
      %dma_start3A_673 = arith.constant 0 : i32
      %dma_start3A_674 = tpu.memref_slice %arg2[%add3A_670, %dma_start3A_673] : memref<16384x200xi32, #tpu.memory_space<hbm>> -> memref<4x200xi32, #tpu.memory_space<hbm>>
      tpu.enqueue_dma source(%dma_start3A_674 : memref<4x200xi32, #tpu.memory_space<hbm>>) target(%arg6 : memref<4x200xi32, #tpu.memory_space<vmem>>) target_semaphore(%arg14 : memref<!tpu.dma_semaphore, #tpu.memory_space<semaphore_mem>>)
      %dma_wait3A_675 = arith.constant 0 : i32
      %dma_wait3A_676 = arith.constant 0 : i32
      %dma_wait3A_677 = arith.constant 0 : i32
      %dma_wait3A_678 = tpu.memref_slice %arg4[%dma_wait3A_675, %dma_wait3A_676, %dma_wait3A_677] : memref<16384x200x128xf32, #tpu.memory_space<hbm>> -> memref<4x200x64xf32, #tpu.memory_space<hbm>>
      %dma_wait3A_679 = arith.constant 0 : i32
      %dma_wait3A_680 = arith.constant 0 : i32
      %dma_wait3A_681 = arith.constant 0 : i32
      %dma_wait3A_682 = tpu.memref_slice %arg4[%dma_wait3A_679, %dma_wait3A_680, %dma_wait3A_681] : memref<16384x200x128xf32, #tpu.memory_space<hbm>> -> memref<4x200x64xf32, #tpu.memory_space<hbm>>
      tpu.wait_dma2 semaphore(%arg12 : memref<!tpu.dma_semaphore, #tpu.memory_space<semaphore_mem>>) src(%arg8 : memref<4x200x64xf32, #tpu.memory_space<vmem>>) dst(%dma_wait3A_682 : memref<4x200x64xf32, #tpu.memory_space<hbm>>)
      %dma_wait3A_683 = arith.constant 0 : i32
      %dma_wait3A_684 = arith.constant 0 : i32
      %dma_wait3A_685 = tpu.memref_slice %arg2[%dma_wait3A_683, %dma_wait3A_684] : memref<16384x200xi32, #tpu.memory_space<hbm>> -> memref<4x200xi32, #tpu.memory_space<hbm>>
      %dma_wait3A_686 = arith.constant 0 : i32
      %dma_wait3A_687 = arith.constant 0 : i32
      %dma_wait3A_688 = tpu.memref_slice %arg2[%dma_wait3A_686, %dma_wait3A_687] : memref<16384x200xi32, #tpu.memory_space<hbm>> -> memref<4x200xi32, #tpu.memory_space<hbm>>
      tpu.wait_dma2 semaphore(%arg14 : memref<!tpu.dma_semaphore, #tpu.memory_space<semaphore_mem>>) src(%dma_wait3A_688 : memref<4x200xi32, #tpu.memory_space<hbm>>) dst(%arg6 : memref<4x200xi32, #tpu.memory_space<vmem>>)
      %dma_start3A_689 = arith.constant 0 : i32
      %dma_start3A_690 = arith.constant 0 : i32
      %dma_start3A_691 = arith.constant 0 : i32
      %dma_start3A_692 = arith.constant 0 : i32
      %dma_start3A_693 = tpu.memref_slice %arg8[%dma_start3A_690, %dma_start3A_691, %dma_start3A_692] : memref<4x200x64xf32, #tpu.memory_space<vmem>> -> memref<1x128x64xf32, #tpu.memory_space<vmem>>
      %dma_start3A_694 = tpu.memref_squeeze %dma_start3A_693 : memref<1x128x64xf32, #tpu.memory_space<vmem>> -> memref<128x64xf32, #tpu.memory_space<vmem>>
      %dma_start3A_695 = arith.constant 0 : i32
      %dma_start3A_696 = tpu.memref_slice %arg6[%dma_start3A_689, %dma_start3A_695] : memref<4x200xi32, #tpu.memory_space<vmem>> -> memref<1x128xi32, #tpu.memory_space<vmem>>
      %dma_start3A_697 = tpu.memref_squeeze %dma_start3A_696 : memref<1x128xi32, #tpu.memory_space<vmem>> -> memref<128xi32, #tpu.memory_space<vmem>>
      %dma_start3A_698 = arith.constant 0 : i32
      %dma_start3A_699 = arith.constant 0 : i32
      %dma_start3A_700 = tpu.memref_slice %arg3[%dma_start3A_698, %dma_start3A_699] : memref<1000000x64xf32, #tpu.memory_space<hbm>> -> memref<1000000x64xf32, #tpu.memory_space<hbm>>
      tpu.enqueue_indirect_dma source(%dma_start3A_700 : memref<1000000x64xf32, #tpu.memory_space<hbm>>) target(%dma_start3A_694 : memref<128x64xf32, #tpu.memory_space<vmem>>) offsets(%dma_start3A_697 : memref<128xi32, #tpu.memory_space<vmem>>) semaphore(%arg10 : memref<!tpu.dma_semaphore, #tpu.memory_space<semaphore_mem>>)
      %dma_start3A_701 = arith.constant 0 : i32
      %dma_start3A_702 = arith.constant 0 : i32
      %dma_start3A_703 = arith.constant 128 : i32
      %dma_start3A_704 = arith.constant 0 : i32
      %dma_start3A_705 = tpu.memref_slice %arg8[%dma_start3A_702, %dma_start3A_703, %dma_start3A_704] : memref<4x200x64xf32, #tpu.memory_space<vmem>> -> memref<1x72x64xf32, #tpu.memory_space<vmem>>
      %dma_start3A_706 = tpu.memref_squeeze %dma_start3A_705 : memref<1x72x64xf32, #tpu.memory_space<vmem>> -> memref<72x64xf32, #tpu.memory_space<vmem>>
      %dma_start3A_707 = arith.constant 128 : i32
      %dma_start3A_708 = tpu.memref_slice %arg6[%dma_start3A_701, %dma_start3A_707] : memref<4x200xi32, #tpu.memory_space<vmem>> -> memref<1x72xi32, #tpu.memory_space<vmem>>
      %dma_start3A_709 = tpu.memref_squeeze %dma_start3A_708 : memref<1x72xi32, #tpu.memory_space<vmem>> -> memref<72xi32, #tpu.memory_space<vmem>>
      %dma_start3A_710 = arith.constant 0 : i32
      %dma_start3A_711 = arith.constant 0 : i32
      %dma_start3A_712 = tpu.memref_slice %arg3[%dma_start3A_710, %dma_start3A_711] : memref<1000000x64xf32, #tpu.memory_space<hbm>> -> memref<1000000x64xf32, #tpu.memory_space<hbm>>
      tpu.enqueue_indirect_dma source(%dma_start3A_712 : memref<1000000x64xf32, #tpu.memory_space<hbm>>) target(%dma_start3A_706 : memref<72x64xf32, #tpu.memory_space<vmem>>) offsets(%dma_start3A_709 : memref<72xi32, #tpu.memory_space<vmem>>) semaphore(%arg10 : memref<!tpu.dma_semaphore, #tpu.memory_space<semaphore_mem>>)
      %dma_start3A_713 = arith.constant 1 : i32
      %dma_start3A_714 = arith.constant 1 : i32
      %dma_start3A_715 = arith.constant 0 : i32
      %dma_start3A_716 = arith.constant 0 : i32
      %dma_start3A_717 = tpu.memref_slice %arg8[%dma_start3A_714, %dma_start3A_715, %dma_start3A_716] : memref<4x200x64xf32, #tpu.memory_space<vmem>> -> memref<1x128x64xf32, #tpu.memory_space<vmem>>
      %dma_start3A_718 = tpu.memref_squeeze %dma_start3A_717 : memref<1x128x64xf32, #tpu.memory_space<vmem>> -> memref<128x64xf32, #tpu.memory_space<vmem>>
      %dma_start3A_719 = arith.constant 0 : i32
      %dma_start3A_720 = tpu.memref_slice %arg6[%dma_start3A_713, %dma_start3A_719] : memref<4x200xi32, #tpu.memory_space<vmem>> -> memref<1x128xi32, #tpu.memory_space<vmem>>
      %dma_start3A_721 = tpu.memref_squeeze %dma_start3A_720 : memref<1x128xi32, #tpu.memory_space<vmem>> -> memref<128xi32, #tpu.memory_space<vmem>>
      %dma_start3A_722 = arith.constant 0 : i32
      %dma_start3A_723 = arith.constant 0 : i32
      %dma_start3A_724 = tpu.memref_slice %arg3[%dma_start3A_722, %dma_start3A_723] : memref<1000000x64xf32, #tpu.memory_space<hbm>> -> memref<1000000x64xf32, #tpu.memory_space<hbm>>
      tpu.enqueue_indirect_dma source(%dma_start3A_724 : memref<1000000x64xf32, #tpu.memory_space<hbm>>) target(%dma_start3A_718 : memref<128x64xf32, #tpu.memory_space<vmem>>) offsets(%dma_start3A_721 : memref<128xi32, #tpu.memory_space<vmem>>) semaphore(%arg10 : memref<!tpu.dma_semaphore, #tpu.memory_space<semaphore_mem>>)
      %dma_start3A_725 = arith.constant 1 : i32
      %dma_start3A_726 = arith.constant 1 : i32
      %dma_start3A_727 = arith.constant 128 : i32
      %dma_start3A_728 = arith.constant 0 : i32
      %dma_start3A_729 = tpu.memref_slice %arg8[%dma_start3A_726, %dma_start3A_727, %dma_start3A_728] : memref<4x200x64xf32, #tpu.memory_space<vmem>> -> memref<1x72x64xf32, #tpu.memory_space<vmem>>
      %dma_start3A_730 = tpu.memref_squeeze %dma_start3A_729 : memref<1x72x64xf32, #tpu.memory_space<vmem>> -> memref<72x64xf32, #tpu.memory_space<vmem>>
      %dma_start3A_731 = arith.constant 128 : i32
      %dma_start3A_732 = tpu.memref_slice %arg6[%dma_start3A_725, %dma_start3A_731] : memref<4x200xi32, #tpu.memory_space<vmem>> -> memref<1x72xi32, #tpu.memory_space<vmem>>
      %dma_start3A_733 = tpu.memref_squeeze %dma_start3A_732 : memref<1x72xi32, #tpu.memory_space<vmem>> -> memref<72xi32, #tpu.memory_space<vmem>>
      %dma_start3A_734 = arith.constant 0 : i32
      %dma_start3A_735 = arith.constant 0 : i32
      %dma_start3A_736 = tpu.memref_slice %arg3[%dma_start3A_734, %dma_start3A_735] : memref<1000000x64xf32, #tpu.memory_space<hbm>> -> memref<1000000x64xf32, #tpu.memory_space<hbm>>
      tpu.enqueue_indirect_dma source(%dma_start3A_736 : memref<1000000x64xf32, #tpu.memory_space<hbm>>) target(%dma_start3A_730 : memref<72x64xf32, #tpu.memory_space<vmem>>) offsets(%dma_start3A_733 : memref<72xi32, #tpu.memory_space<vmem>>) semaphore(%arg10 : memref<!tpu.dma_semaphore, #tpu.memory_space<semaphore_mem>>)
      %dma_start3A_737 = arith.constant 2 : i32
      %dma_start3A_738 = arith.constant 2 : i32
      %dma_start3A_739 = arith.constant 0 : i32
      %dma_start3A_740 = arith.constant 0 : i32
      %dma_start3A_741 = tpu.memref_slice %arg8[%dma_start3A_738, %dma_start3A_739, %dma_start3A_740] : memref<4x200x64xf32, #tpu.memory_space<vmem>> -> memref<1x128x64xf32, #tpu.memory_space<vmem>>
      %dma_start3A_742 = tpu.memref_squeeze %dma_start3A_741 : memref<1x128x64xf32, #tpu.memory_space<vmem>> -> memref<128x64xf32, #tpu.memory_space<vmem>>
      %dma_start3A_743 = arith.constant 0 : i32
      %dma_start3A_744 = tpu.memref_slice %arg6[%dma_start3A_737, %dma_start3A_743] : memref<4x200xi32, #tpu.memory_space<vmem>> -> memref<1x128xi32, #tpu.memory_space<vmem>>
      %dma_start3A_745 = tpu.memref_squeeze %dma_start3A_744 : memref<1x128xi32, #tpu.memory_space<vmem>> -> memref<128xi32, #tpu.memory_space<vmem>>
      %dma_start3A_746 = arith.constant 0 : i32
      %dma_start3A_747 = arith.constant 0 : i32
      %dma_start3A_748 = tpu.memref_slice %arg3[%dma_start3A_746, %dma_start3A_747] : memref<1000000x64xf32, #tpu.memory_space<hbm>> -> memref<1000000x64xf32, #tpu.memory_space<hbm>>
      tpu.enqueue_indirect_dma source(%dma_start3A_748 : memref<1000000x64xf32, #tpu.memory_space<hbm>>) target(%dma_start3A_742 : memref<128x64xf32, #tpu.memory_space<vmem>>) offsets(%dma_start3A_745 : memref<128xi32, #tpu.memory_space<vmem>>) semaphore(%arg10 : memref<!tpu.dma_semaphore, #tpu.memory_space<semaphore_mem>>)
      %dma_start3A_749 = arith.constant 2 : i32
      %dma_start3A_750 = arith.constant 2 : i32
      %dma_start3A_751 = arith.constant 128 : i32
      %dma_start3A_752 = arith.constant 0 : i32
      %dma_start3A_753 = tpu.memref_slice %arg8[%dma_start3A_750, %dma_start3A_751, %dma_start3A_752] : memref<4x200x64xf32, #tpu.memory_space<vmem>> -> memref<1x72x64xf32, #tpu.memory_space<vmem>>
      %dma_start3A_754 = tpu.memref_squeeze %dma_start3A_753 : memref<1x72x64xf32, #tpu.memory_space<vmem>> -> memref<72x64xf32, #tpu.memory_space<vmem>>
      %dma_start3A_755 = arith.constant 128 : i32
      %dma_start3A_756 = tpu.memref_slice %arg6[%dma_start3A_749, %dma_start3A_755] : memref<4x200xi32, #tpu.memory_space<vmem>> -> memref<1x72xi32, #tpu.memory_space<vmem>>
      %dma_start3A_757 = tpu.memref_squeeze %dma_start3A_756 : memref<1x72xi32, #tpu.memory_space<vmem>> -> memref<72xi32, #tpu.memory_space<vmem>>
      %dma_start3A_758 = arith.constant 0 : i32
      %dma_start3A_759 = arith.constant 0 : i32
      %dma_start3A_760 = tpu.memref_slice %arg3[%dma_start3A_758, %dma_start3A_759] : memref<1000000x64xf32, #tpu.memory_space<hbm>> -> memref<1000000x64xf32, #tpu.memory_space<hbm>>
      tpu.enqueue_indirect_dma source(%dma_start3A_760 : memref<1000000x64xf32, #tpu.memory_space<hbm>>) target(%dma_start3A_754 : memref<72x64xf32, #tpu.memory_space<vmem>>) offsets(%dma_start3A_757 : memref<72xi32, #tpu.memory_space<vmem>>) semaphore(%arg10 : memref<!tpu.dma_semaphore, #tpu.memory_space<semaphore_mem>>)
      %dma_start3A_761 = arith.constant 3 : i32
      %dma_start3A_762 = arith.constant 3 : i32
      %dma_start3A_763 = arith.constant 0 : i32
      %dma_start3A_764 = arith.constant 0 : i32
      %dma_start3A_765 = tpu.memref_slice %arg8[%dma_start3A_762, %dma_start3A_763, %dma_start3A_764] : memref<4x200x64xf32, #tpu.memory_space<vmem>> -> memref<1x128x64xf32, #tpu.memory_space<vmem>>
      %dma_start3A_766 = tpu.memref_squeeze %dma_start3A_765 : memref<1x128x64xf32, #tpu.memory_space<vmem>> -> memref<128x64xf32, #tpu.memory_space<vmem>>
      %dma_start3A_767 = arith.constant 0 : i32
      %dma_start3A_768 = tpu.memref_slice %arg6[%dma_start3A_761, %dma_start3A_767] : memref<4x200xi32, #tpu.memory_space<vmem>> -> memref<1x128xi32, #tpu.memory_space<vmem>>
      %dma_start3A_769 = tpu.memref_squeeze %dma_start3A_768 : memref<1x128xi32, #tpu.memory_space<vmem>> -> memref<128xi32, #tpu.memory_space<vmem>>
      %dma_start3A_770 = arith.constant 0 : i32
      %dma_start3A_771 = arith.constant 0 : i32
      %dma_start3A_772 = tpu.memref_slice %arg3[%dma_start3A_770, %dma_start3A_771] : memref<1000000x64xf32, #tpu.memory_space<hbm>> -> memref<1000000x64xf32, #tpu.memory_space<hbm>>
      tpu.enqueue_indirect_dma source(%dma_start3A_772 : memref<1000000x64xf32, #tpu.memory_space<hbm>>) target(%dma_start3A_766 : memref<128x64xf32, #tpu.memory_space<vmem>>) offsets(%dma_start3A_769 : memref<128xi32, #tpu.memory_space<vmem>>) semaphore(%arg10 : memref<!tpu.dma_semaphore, #tpu.memory_space<semaphore_mem>>)
      %dma_start3A_773 = arith.constant 3 : i32
      %dma_start3A_774 = arith.constant 3 : i32
      %dma_start3A_775 = arith.constant 128 : i32
      %dma_start3A_776 = arith.constant 0 : i32
      %dma_start3A_777 = tpu.memref_slice %arg8[%dma_start3A_774, %dma_start3A_775, %dma_start3A_776] : memref<4x200x64xf32, #tpu.memory_space<vmem>> -> memref<1x72x64xf32, #tpu.memory_space<vmem>>
      %dma_start3A_778 = tpu.memref_squeeze %dma_start3A_777 : memref<1x72x64xf32, #tpu.memory_space<vmem>> -> memref<72x64xf32, #tpu.memory_space<vmem>>
      %dma_start3A_779 = arith.constant 128 : i32
      %dma_start3A_780 = tpu.memref_slice %arg6[%dma_start3A_773, %dma_start3A_779] : memref<4x200xi32, #tpu.memory_space<vmem>> -> memref<1x72xi32, #tpu.memory_space<vmem>>
      %dma_start3A_781 = tpu.memref_squeeze %dma_start3A_780 : memref<1x72xi32, #tpu.memory_space<vmem>> -> memref<72xi32, #tpu.memory_space<vmem>>
      %dma_start3A_782 = arith.constant 0 : i32
      %dma_start3A_783 = arith.constant 0 : i32
      %dma_start3A_784 = tpu.memref_slice %arg3[%dma_start3A_782, %dma_start3A_783] : memref<1000000x64xf32, #tpu.memory_space<hbm>> -> memref<1000000x64xf32, #tpu.memory_space<hbm>>
      tpu.enqueue_indirect_dma source(%dma_start3A_784 : memref<1000000x64xf32, #tpu.memory_space<hbm>>) target(%dma_start3A_778 : memref<72x64xf32, #tpu.memory_space<vmem>>) offsets(%dma_start3A_781 : memref<72xi32, #tpu.memory_space<vmem>>) semaphore(%arg10 : memref<!tpu.dma_semaphore, #tpu.memory_space<semaphore_mem>>)
      %dma_wait3A_785 = arith.constant 0 : i32
      %dma_wait3A_786 = arith.constant 0 : i32
      %dma_wait3A_787 = arith.constant 0 : i32
      %dma_wait3A_788 = arith.constant 0 : i32
      %dma_wait3A_789 = tpu.memref_slice %arg7[%dma_wait3A_786, %dma_wait3A_787, %dma_wait3A_788] : memref<4x200x64xf32, #tpu.memory_space<vmem>> -> memref<1x128x64xf32, #tpu.memory_space<vmem>>
      %dma_wait3A_790 = tpu.memref_squeeze %dma_wait3A_789 : memref<1x128x64xf32, #tpu.memory_space<vmem>> -> memref<128x64xf32, #tpu.memory_space<vmem>>
      %dma_wait3A_791 = arith.constant 0 : i32
      %dma_wait3A_792 = tpu.memref_slice %arg5[%dma_wait3A_785, %dma_wait3A_791] : memref<4x200xi32, #tpu.memory_space<vmem>> -> memref<1x128xi32, #tpu.memory_space<vmem>>
      %dma_wait3A_793 = tpu.memref_squeeze %dma_wait3A_792 : memref<1x128xi32, #tpu.memory_space<vmem>> -> memref<128xi32, #tpu.memory_space<vmem>>
      %dma_wait3A_794 = arith.constant 0 : i32
      %dma_wait3A_795 = arith.constant 0 : i32
      %dma_wait3A_796 = tpu.memref_slice %arg3[%dma_wait3A_794, %dma_wait3A_795] : memref<1000000x64xf32, #tpu.memory_space<hbm>> -> memref<1000000x64xf32, #tpu.memory_space<hbm>>
      tpu.wait_indirect_dma semaphore(%arg9 : memref<!tpu.dma_semaphore, #tpu.memory_space<semaphore_mem>>) src(%dma_wait3A_796 : memref<1000000x64xf32, #tpu.memory_space<hbm>>) dst(%dma_wait3A_790 : memref<128x64xf32, #tpu.memory_space<vmem>>)
      %dma_wait3A_797 = arith.constant 0 : i32
      %dma_wait3A_798 = arith.constant 0 : i32
      %dma_wait3A_799 = arith.constant 128 : i32
      %dma_wait3A_800 = arith.constant 0 : i32
      %dma_wait3A_801 = tpu.memref_slice %arg7[%dma_wait3A_798, %dma_wait3A_799, %dma_wait3A_800] : memref<4x200x64xf32, #tpu.memory_space<vmem>> -> memref<1x72x64xf32, #tpu.memory_space<vmem>>
      %dma_wait3A_802 = tpu.memref_squeeze %dma_wait3A_801 : memref<1x72x64xf32, #tpu.memory_space<vmem>> -> memref<72x64xf32, #tpu.memory_space<vmem>>
      %dma_wait3A_803 = arith.constant 128 : i32
      %dma_wait3A_804 = tpu.memref_slice %arg5[%dma_wait3A_797, %dma_wait3A_803] : memref<4x200xi32, #tpu.memory_space<vmem>> -> memref<1x72xi32, #tpu.memory_space<vmem>>
      %dma_wait3A_805 = tpu.memref_squeeze %dma_wait3A_804 : memref<1x72xi32, #tpu.memory_space<vmem>> -> memref<72xi32, #tpu.memory_space<vmem>>
      %dma_wait3A_806 = arith.constant 0 : i32
      %dma_wait3A_807 = arith.constant 0 : i32
      %dma_wait3A_808 = tpu.memref_slice %arg3[%dma_wait3A_806, %dma_wait3A_807] : memref<1000000x64xf32, #tpu.memory_space<hbm>> -> memref<1000000x64xf32, #tpu.memory_space<hbm>>
      tpu.wait_indirect_dma semaphore(%arg9 : memref<!tpu.dma_semaphore, #tpu.memory_space<semaphore_mem>>) src(%dma_wait3A_808 : memref<1000000x64xf32, #tpu.memory_space<hbm>>) dst(%dma_wait3A_802 : memref<72x64xf32, #tpu.memory_space<vmem>>)
      %dma_wait3A_809 = arith.constant 1 : i32
      %dma_wait3A_810 = arith.constant 1 : i32
      %dma_wait3A_811 = arith.constant 0 : i32
      %dma_wait3A_812 = arith.constant 0 : i32
      %dma_wait3A_813 = tpu.memref_slice %arg7[%dma_wait3A_810, %dma_wait3A_811, %dma_wait3A_812] : memref<4x200x64xf32, #tpu.memory_space<vmem>> -> memref<1x128x64xf32, #tpu.memory_space<vmem>>
      %dma_wait3A_814 = tpu.memref_squeeze %dma_wait3A_813 : memref<1x128x64xf32, #tpu.memory_space<vmem>> -> memref<128x64xf32, #tpu.memory_space<vmem>>
      %dma_wait3A_815 = arith.constant 0 : i32
      %dma_wait3A_816 = tpu.memref_slice %arg5[%dma_wait3A_809, %dma_wait3A_815] : memref<4x200xi32, #tpu.memory_space<vmem>> -> memref<1x128xi32, #tpu.memory_space<vmem>>
      %dma_wait3A_817 = tpu.memref_squeeze %dma_wait3A_816 : memref<1x128xi32, #tpu.memory_space<vmem>> -> memref<128xi32, #tpu.memory_space<vmem>>
      %dma_wait3A_818 = arith.constant 0 : i32
      %dma_wait3A_819 = arith.constant 0 : i32
      %dma_wait3A_820 = tpu.memref_slice %arg3[%dma_wait3A_818, %dma_wait3A_819] : memref<1000000x64xf32, #tpu.memory_space<hbm>> -> memref<1000000x64xf32, #tpu.memory_space<hbm>>
      tpu.wait_indirect_dma semaphore(%arg9 : memref<!tpu.dma_semaphore, #tpu.memory_space<semaphore_mem>>) src(%dma_wait3A_820 : memref<1000000x64xf32, #tpu.memory_space<hbm>>) dst(%dma_wait3A_814 : memref<128x64xf32, #tpu.memory_space<vmem>>)
      %dma_wait3A_821 = arith.constant 1 : i32
      %dma_wait3A_822 = arith.constant 1 : i32
      %dma_wait3A_823 = arith.constant 128 : i32
      %dma_wait3A_824 = arith.constant 0 : i32
      %dma_wait3A_825 = tpu.memref_slice %arg7[%dma_wait3A_822, %dma_wait3A_823, %dma_wait3A_824] : memref<4x200x64xf32, #tpu.memory_space<vmem>> -> memref<1x72x64xf32, #tpu.memory_space<vmem>>
      %dma_wait3A_826 = tpu.memref_squeeze %dma_wait3A_825 : memref<1x72x64xf32, #tpu.memory_space<vmem>> -> memref<72x64xf32, #tpu.memory_space<vmem>>
      %dma_wait3A_827 = arith.constant 128 : i32
      %dma_wait3A_828 = tpu.memref_slice %arg5[%dma_wait3A_821, %dma_wait3A_827] : memref<4x200xi32, #tpu.memory_space<vmem>> -> memref<1x72xi32, #tpu.memory_space<vmem>>
      %dma_wait3A_829 = tpu.memref_squeeze %dma_wait3A_828 : memref<1x72xi32, #tpu.memory_space<vmem>> -> memref<72xi32, #tpu.memory_space<vmem>>
      %dma_wait3A_830 = arith.constant 0 : i32
      %dma_wait3A_831 = arith.constant 0 : i32
      %dma_wait3A_832 = tpu.memref_slice %arg3[%dma_wait3A_830, %dma_wait3A_831] : memref<1000000x64xf32, #tpu.memory_space<hbm>> -> memref<1000000x64xf32, #tpu.memory_space<hbm>>
      tpu.wait_indirect_dma semaphore(%arg9 : memref<!tpu.dma_semaphore, #tpu.memory_space<semaphore_mem>>) src(%dma_wait3A_832 : memref<1000000x64xf32, #tpu.memory_space<hbm>>) dst(%dma_wait3A_826 : memref<72x64xf32, #tpu.memory_space<vmem>>)
      %dma_wait3A_833 = arith.constant 2 : i32
      %dma_wait3A_834 = arith.constant 2 : i32
      %dma_wait3A_835 = arith.constant 0 : i32
      %dma_wait3A_836 = arith.constant 0 : i32
      %dma_wait3A_837 = tpu.memref_slice %arg7[%dma_wait3A_834, %dma_wait3A_835, %dma_wait3A_836] : memref<4x200x64xf32, #tpu.memory_space<vmem>> -> memref<1x128x64xf32, #tpu.memory_space<vmem>>
      %dma_wait3A_838 = tpu.memref_squeeze %dma_wait3A_837 : memref<1x128x64xf32, #tpu.memory_space<vmem>> -> memref<128x64xf32, #tpu.memory_space<vmem>>
      %dma_wait3A_839 = arith.constant 0 : i32
      %dma_wait3A_840 = tpu.memref_slice %arg5[%dma_wait3A_833, %dma_wait3A_839] : memref<4x200xi32, #tpu.memory_space<vmem>> -> memref<1x128xi32, #tpu.memory_space<vmem>>
      %dma_wait3A_841 = tpu.memref_squeeze %dma_wait3A_840 : memref<1x128xi32, #tpu.memory_space<vmem>> -> memref<128xi32, #tpu.memory_space<vmem>>
      %dma_wait3A_842 = arith.constant 0 : i32
      %dma_wait3A_843 = arith.constant 0 : i32
      %dma_wait3A_844 = tpu.memref_slice %arg3[%dma_wait3A_842, %dma_wait3A_843] : memref<1000000x64xf32, #tpu.memory_space<hbm>> -> memref<1000000x64xf32, #tpu.memory_space<hbm>>
      tpu.wait_indirect_dma semaphore(%arg9 : memref<!tpu.dma_semaphore, #tpu.memory_space<semaphore_mem>>) src(%dma_wait3A_844 : memref<1000000x64xf32, #tpu.memory_space<hbm>>) dst(%dma_wait3A_838 : memref<128x64xf32, #tpu.memory_space<vmem>>)
      %dma_wait3A_845 = arith.constant 2 : i32
      %dma_wait3A_846 = arith.constant 2 : i32
      %dma_wait3A_847 = arith.constant 128 : i32
      %dma_wait3A_848 = arith.constant 0 : i32
      %dma_wait3A_849 = tpu.memref_slice %arg7[%dma_wait3A_846, %dma_wait3A_847, %dma_wait3A_848] : memref<4x200x64xf32, #tpu.memory_space<vmem>> -> memref<1x72x64xf32, #tpu.memory_space<vmem>>
      %dma_wait3A_850 = tpu.memref_squeeze %dma_wait3A_849 : memref<1x72x64xf32, #tpu.memory_space<vmem>> -> memref<72x64xf32, #tpu.memory_space<vmem>>
      %dma_wait3A_851 = arith.constant 128 : i32
      %dma_wait3A_852 = tpu.memref_slice %arg5[%dma_wait3A_845, %dma_wait3A_851] : memref<4x200xi32, #tpu.memory_space<vmem>> -> memref<1x72xi32, #tpu.memory_space<vmem>>
      %dma_wait3A_853 = tpu.memref_squeeze %dma_wait3A_852 : memref<1x72xi32, #tpu.memory_space<vmem>> -> memref<72xi32, #tpu.memory_space<vmem>>
      %dma_wait3A_854 = arith.constant 0 : i32
      %dma_wait3A_855 = arith.constant 0 : i32
      %dma_wait3A_856 = tpu.memref_slice %arg3[%dma_wait3A_854, %dma_wait3A_855] : memref<1000000x64xf32, #tpu.memory_space<hbm>> -> memref<1000000x64xf32, #tpu.memory_space<hbm>>
      tpu.wait_indirect_dma semaphore(%arg9 : memref<!tpu.dma_semaphore, #tpu.memory_space<semaphore_mem>>) src(%dma_wait3A_856 : memref<1000000x64xf32, #tpu.memory_space<hbm>>) dst(%dma_wait3A_850 : memref<72x64xf32, #tpu.memory_space<vmem>>)
      %dma_wait3A_857 = arith.constant 3 : i32
      %dma_wait3A_858 = arith.constant 3 : i32
      %dma_wait3A_859 = arith.constant 0 : i32
      %dma_wait3A_860 = arith.constant 0 : i32
      %dma_wait3A_861 = tpu.memref_slice %arg7[%dma_wait3A_858, %dma_wait3A_859, %dma_wait3A_860] : memref<4x200x64xf32, #tpu.memory_space<vmem>> -> memref<1x128x64xf32, #tpu.memory_space<vmem>>
      %dma_wait3A_862 = tpu.memref_squeeze %dma_wait3A_861 : memref<1x128x64xf32, #tpu.memory_space<vmem>> -> memref<128x64xf32, #tpu.memory_space<vmem>>
      %dma_wait3A_863 = arith.constant 0 : i32
      %dma_wait3A_864 = tpu.memref_slice %arg5[%dma_wait3A_857, %dma_wait3A_863] : memref<4x200xi32, #tpu.memory_space<vmem>> -> memref<1x128xi32, #tpu.memory_space<vmem>>
      %dma_wait3A_865 = tpu.memref_squeeze %dma_wait3A_864 : memref<1x128xi32, #tpu.memory_space<vmem>> -> memref<128xi32, #tpu.memory_space<vmem>>
      %dma_wait3A_866 = arith.constant 0 : i32
      %dma_wait3A_867 = arith.constant 0 : i32
      %dma_wait3A_868 = tpu.memref_slice %arg3[%dma_wait3A_866, %dma_wait3A_867] : memref<1000000x64xf32, #tpu.memory_space<hbm>> -> memref<1000000x64xf32, #tpu.memory_space<hbm>>
      tpu.wait_indirect_dma semaphore(%arg9 : memref<!tpu.dma_semaphore, #tpu.memory_space<semaphore_mem>>) src(%dma_wait3A_868 : memref<1000000x64xf32, #tpu.memory_space<hbm>>) dst(%dma_wait3A_862 : memref<128x64xf32, #tpu.memory_space<vmem>>)
      %dma_wait3A_869 = arith.constant 3 : i32
      %dma_wait3A_870 = arith.constant 3 : i32
      %dma_wait3A_871 = arith.constant 128 : i32
      %dma_wait3A_872 = arith.constant 0 : i32
      %dma_wait3A_873 = tpu.memref_slice %arg7[%dma_wait3A_870, %dma_wait3A_871, %dma_wait3A_872] : memref<4x200x64xf32, #tpu.memory_space<vmem>> -> memref<1x72x64xf32, #tpu.memory_space<vmem>>
      %dma_wait3A_874 = tpu.memref_squeeze %dma_wait3A_873 : memref<1x72x64xf32, #tpu.memory_space<vmem>> -> memref<72x64xf32, #tpu.memory_space<vmem>>
      %dma_wait3A_875 = arith.constant 128 : i32
      %dma_wait3A_876 = tpu.memref_slice %arg5[%dma_wait3A_869, %dma_wait3A_875] : memref<4x200xi32, #tpu.memory_space<vmem>> -> memref<1x72xi32, #tpu.memory_space<vmem>>
      %dma_wait3A_877 = tpu.memref_squeeze %dma_wait3A_876 : memref<1x72xi32, #tpu.memory_space<vmem>> -> memref<72xi32, #tpu.memory_space<vmem>>
      %dma_wait3A_878 = arith.constant 0 : i32
      %dma_wait3A_879 = arith.constant 0 : i32
      %dma_wait3A_880 = tpu.memref_slice %arg3[%dma_wait3A_878, %dma_wait3A_879] : memref<1000000x64xf32, #tpu.memory_space<hbm>> -> memref<1000000x64xf32, #tpu.memory_space<hbm>>
      tpu.wait_indirect_dma semaphore(%arg9 : memref<!tpu.dma_semaphore, #tpu.memory_space<semaphore_mem>>) src(%dma_wait3A_880 : memref<1000000x64xf32, #tpu.memory_space<hbm>>) dst(%dma_wait3A_874 : memref<72x64xf32, #tpu.memory_space<vmem>>)
      %mul3A_881 = arith.constant 4 : i32
      %mul3A_882 = arith.muli %mul3A_448, %mul3A_881 : i32
      %add3A_883 = arith.addi %mul3A_2, %mul3A_882 : i32
      %dma_start3A_884 = arith.constant 0 : i32
      %dma_start3A_885 = arith.constant 0 : i32
      %dma_start3A_886 = tpu.memref_slice %arg4[%add3A_883, %dma_start3A_884, %dma_start3A_885] : memref<16384x200x128xf32, #tpu.memory_space<hbm>> -> memref<4x200x64xf32, #tpu.memory_space<hbm>>
      %dma_start3A_887 = arith.constant 0 : i32
      %dma_start3A_888 = arith.constant 0 : i32
      %dma_start3A_889 = tpu.memref_slice %arg4[%add3A_883, %dma_start3A_887, %dma_start3A_888] : memref<16384x200x128xf32, #tpu.memory_space<hbm>> -> memref<4x200x64xf32, #tpu.memory_space<hbm>>
      tpu.enqueue_dma source(%arg7 : memref<4x200x64xf32, #tpu.memory_space<vmem>>) target(%dma_start3A_889 : memref<4x200x64xf32, #tpu.memory_space<hbm>>) target_semaphore(%arg11 : memref<!tpu.dma_semaphore, #tpu.memory_space<semaphore_mem>>)
      %add3A_890 = arith.constant 2 : i32
      %add3A_891 = arith.addi %mul3A_448, %add3A_890 : i32
      %min3A_892 = arith.constant 127 : i32
      %min3A_893 = arith.minsi %add3A_891, %min3A_892 : i32
      %mul3A_894 = arith.constant 4 : i32
      %mul3A_895 = arith.muli %min3A_893, %mul3A_894 : i32
      %add3A_896 = arith.addi %mul3A_2, %mul3A_895 : i32
      %dma_start3A_897 = arith.constant 0 : i32
      %dma_start3A_898 = tpu.memref_slice %arg2[%add3A_896, %dma_start3A_897] : memref<16384x200xi32, #tpu.memory_space<hbm>> -> memref<4x200xi32, #tpu.memory_space<hbm>>
      %dma_start3A_899 = arith.constant 0 : i32
      %dma_start3A_900 = tpu.memref_slice %arg2[%add3A_896, %dma_start3A_899] : memref<16384x200xi32, #tpu.memory_space<hbm>> -> memref<4x200xi32, #tpu.memory_space<hbm>>
      tpu.enqueue_dma source(%dma_start3A_900 : memref<4x200xi32, #tpu.memory_space<hbm>>) target(%arg5 : memref<4x200xi32, #tpu.memory_space<vmem>>) target_semaphore(%arg13 : memref<!tpu.dma_semaphore, #tpu.memory_space<semaphore_mem>>)
    }
    %scan3A_319 = arith.constant 63 : i32
    %dma_wait3A_320 = arith.constant 0 : i32
    %dma_wait3A_321 = arith.constant 0 : i32
    %dma_wait3A_322 = arith.constant 0 : i32
    %dma_wait3A_323 = tpu.memref_slice %arg4[%dma_wait3A_320, %dma_wait3A_321, %dma_wait3A_322] : memref<16384x200x128xf32, #tpu.memory_space<hbm>> -> memref<4x200x64xf32, #tpu.memory_space<hbm>>
    %dma_wait3A_324 = arith.constant 0 : i32
    %dma_wait3A_325 = arith.constant 0 : i32
    %dma_wait3A_326 = arith.constant 0 : i32
    %dma_wait3A_327 = tpu.memref_slice %arg4[%dma_wait3A_324, %dma_wait3A_325, %dma_wait3A_326] : memref<16384x200x128xf32, #tpu.memory_space<hbm>> -> memref<4x200x64xf32, #tpu.memory_space<hbm>>
    tpu.wait_dma2 semaphore(%arg11 : memref<!tpu.dma_semaphore, #tpu.memory_space<semaphore_mem>>) src(%arg7 : memref<4x200x64xf32, #tpu.memory_space<vmem>>) dst(%dma_wait3A_327 : memref<4x200x64xf32, #tpu.memory_space<hbm>>)
    %dma_wait3A_328 = arith.constant 0 : i32
    %dma_wait3A_329 = arith.constant 0 : i32
    %dma_wait3A_330 = arith.constant 0 : i32
    %dma_wait3A_331 = arith.constant 0 : i32
    %dma_wait3A_332 = tpu.memref_slice %arg8[%dma_wait3A_329, %dma_wait3A_330, %dma_wait3A_331] : memref<4x200x64xf32, #tpu.memory_space<vmem>> -> memref<1x128x64xf32, #tpu.memory_space<vmem>>
    %dma_wait3A_333 = tpu.memref_squeeze %dma_wait3A_332 : memref<1x128x64xf32, #tpu.memory_space<vmem>> -> memref<128x64xf32, #tpu.memory_space<vmem>>
    %dma_wait3A_334 = arith.constant 0 : i32
    %dma_wait3A_335 = tpu.memref_slice %arg6[%dma_wait3A_328, %dma_wait3A_334] : memref<4x200xi32, #tpu.memory_space<vmem>> -> memref<1x128xi32, #tpu.memory_space<vmem>>
    %dma_wait3A_336 = tpu.memref_squeeze %dma_wait3A_335 : memref<1x128xi32, #tpu.memory_space<vmem>> -> memref<128xi32, #tpu.memory_space<vmem>>
    %dma_wait3A_337 = arith.constant 0 : i32
    %dma_wait3A_338 = arith.constant 0 : i32
    %dma_wait3A_339 = tpu.memref_slice %arg3[%dma_wait3A_337, %dma_wait3A_338] : memref<1000000x64xf32, #tpu.memory_space<hbm>> -> memref<1000000x64xf32, #tpu.memory_space<hbm>>
    tpu.wait_indirect_dma semaphore(%arg10 : memref<!tpu.dma_semaphore, #tpu.memory_space<semaphore_mem>>) src(%dma_wait3A_339 : memref<1000000x64xf32, #tpu.memory_space<hbm>>) dst(%dma_wait3A_333 : memref<128x64xf32, #tpu.memory_space<vmem>>)
    %dma_wait3A_340 = arith.constant 0 : i32
    %dma_wait3A_341 = arith.constant 0 : i32
    %dma_wait3A_342 = arith.constant 128 : i32
    %dma_wait3A_343 = arith.constant 0 : i32
    %dma_wait3A_344 = tpu.memref_slice %arg8[%dma_wait3A_341, %dma_wait3A_342, %dma_wait3A_343] : memref<4x200x64xf32, #tpu.memory_space<vmem>> -> memref<1x72x64xf32, #tpu.memory_space<vmem>>
    %dma_wait3A_345 = tpu.memref_squeeze %dma_wait3A_344 : memref<1x72x64xf32, #tpu.memory_space<vmem>> -> memref<72x64xf32, #tpu.memory_space<vmem>>
    %dma_wait3A_346 = arith.constant 128 : i32
    %dma_wait3A_347 = tpu.memref_slice %arg6[%dma_wait3A_340, %dma_wait3A_346] : memref<4x200xi32, #tpu.memory_space<vmem>> -> memref<1x72xi32, #tpu.memory_space<vmem>>
    %dma_wait3A_348 = tpu.memref_squeeze %dma_wait3A_347 : memref<1x72xi32, #tpu.memory_space<vmem>> -> memref<72xi32, #tpu.memory_space<vmem>>
    %dma_wait3A_349 = arith.constant 0 : i32
    %dma_wait3A_350 = arith.constant 0 : i32
    %dma_wait3A_351 = tpu.memref_slice %arg3[%dma_wait3A_349, %dma_wait3A_350] : memref<1000000x64xf32, #tpu.memory_space<hbm>> -> memref<1000000x64xf32, #tpu.memory_space<hbm>>
    tpu.wait_indirect_dma semaphore(%arg10 : memref<!tpu.dma_semaphore, #tpu.memory_space<semaphore_mem>>) src(%dma_wait3A_351 : memref<1000000x64xf32, #tpu.memory_space<hbm>>) dst(%dma_wait3A_345 : memref<72x64xf32, #tpu.memory_space<vmem>>)
    %dma_wait3A_352 = arith.constant 1 : i32
    %dma_wait3A_353 = arith.constant 1 : i32
    %dma_wait3A_354 = arith.constant 0 : i32
    %dma_wait3A_355 = arith.constant 0 : i32
    %dma_wait3A_356 = tpu.memref_slice %arg8[%dma_wait3A_353, %dma_wait3A_354, %dma_wait3A_355] : memref<4x200x64xf32, #tpu.memory_space<vmem>> -> memref<1x128x64xf32, #tpu.memory_space<vmem>>
    %dma_wait3A_357 = tpu.memref_squeeze %dma_wait3A_356 : memref<1x128x64xf32, #tpu.memory_space<vmem>> -> memref<128x64xf32, #tpu.memory_space<vmem>>
    %dma_wait3A_358 = arith.constant 0 : i32
    %dma_wait3A_359 = tpu.memref_slice %arg6[%dma_wait3A_352, %dma_wait3A_358] : memref<4x200xi32, #tpu.memory_space<vmem>> -> memref<1x128xi32, #tpu.memory_space<vmem>>
    %dma_wait3A_360 = tpu.memref_squeeze %dma_wait3A_359 : memref<1x128xi32, #tpu.memory_space<vmem>> -> memref<128xi32, #tpu.memory_space<vmem>>
    %dma_wait3A_361 = arith.constant 0 : i32
    %dma_wait3A_362 = arith.constant 0 : i32
    %dma_wait3A_363 = tpu.memref_slice %arg3[%dma_wait3A_361, %dma_wait3A_362] : memref<1000000x64xf32, #tpu.memory_space<hbm>> -> memref<1000000x64xf32, #tpu.memory_space<hbm>>
    tpu.wait_indirect_dma semaphore(%arg10 : memref<!tpu.dma_semaphore, #tpu.memory_space<semaphore_mem>>) src(%dma_wait3A_363 : memref<1000000x64xf32, #tpu.memory_space<hbm>>) dst(%dma_wait3A_357 : memref<128x64xf32, #tpu.memory_space<vmem>>)
    %dma_wait3A_364 = arith.constant 1 : i32
    %dma_wait3A_365 = arith.constant 1 : i32
    %dma_wait3A_366 = arith.constant 128 : i32
    %dma_wait3A_367 = arith.constant 0 : i32
    %dma_wait3A_368 = tpu.memref_slice %arg8[%dma_wait3A_365, %dma_wait3A_366, %dma_wait3A_367] : memref<4x200x64xf32, #tpu.memory_space<vmem>> -> memref<1x72x64xf32, #tpu.memory_space<vmem>>
    %dma_wait3A_369 = tpu.memref_squeeze %dma_wait3A_368 : memref<1x72x64xf32, #tpu.memory_space<vmem>> -> memref<72x64xf32, #tpu.memory_space<vmem>>
    %dma_wait3A_370 = arith.constant 128 : i32
    %dma_wait3A_371 = tpu.memref_slice %arg6[%dma_wait3A_364, %dma_wait3A_370] : memref<4x200xi32, #tpu.memory_space<vmem>> -> memref<1x72xi32, #tpu.memory_space<vmem>>
    %dma_wait3A_372 = tpu.memref_squeeze %dma_wait3A_371 : memref<1x72xi32, #tpu.memory_space<vmem>> -> memref<72xi32, #tpu.memory_space<vmem>>
    %dma_wait3A_373 = arith.constant 0 : i32
    %dma_wait3A_374 = arith.constant 0 : i32
    %dma_wait3A_375 = tpu.memref_slice %arg3[%dma_wait3A_373, %dma_wait3A_374] : memref<1000000x64xf32, #tpu.memory_space<hbm>> -> memref<1000000x64xf32, #tpu.memory_space<hbm>>
    tpu.wait_indirect_dma semaphore(%arg10 : memref<!tpu.dma_semaphore, #tpu.memory_space<semaphore_mem>>) src(%dma_wait3A_375 : memref<1000000x64xf32, #tpu.memory_space<hbm>>) dst(%dma_wait3A_369 : memref<72x64xf32, #tpu.memory_space<vmem>>)
    %dma_wait3A_376 = arith.constant 2 : i32
    %dma_wait3A_377 = arith.constant 2 : i32
    %dma_wait3A_378 = arith.constant 0 : i32
    %dma_wait3A_379 = arith.constant 0 : i32
    %dma_wait3A_380 = tpu.memref_slice %arg8[%dma_wait3A_377, %dma_wait3A_378, %dma_wait3A_379] : memref<4x200x64xf32, #tpu.memory_space<vmem>> -> memref<1x128x64xf32, #tpu.memory_space<vmem>>
    %dma_wait3A_381 = tpu.memref_squeeze %dma_wait3A_380 : memref<1x128x64xf32, #tpu.memory_space<vmem>> -> memref<128x64xf32, #tpu.memory_space<vmem>>
    %dma_wait3A_382 = arith.constant 0 : i32
    %dma_wait3A_383 = tpu.memref_slice %arg6[%dma_wait3A_376, %dma_wait3A_382] : memref<4x200xi32, #tpu.memory_space<vmem>> -> memref<1x128xi32, #tpu.memory_space<vmem>>
    %dma_wait3A_384 = tpu.memref_squeeze %dma_wait3A_383 : memref<1x128xi32, #tpu.memory_space<vmem>> -> memref<128xi32, #tpu.memory_space<vmem>>
    %dma_wait3A_385 = arith.constant 0 : i32
    %dma_wait3A_386 = arith.constant 0 : i32
    %dma_wait3A_387 = tpu.memref_slice %arg3[%dma_wait3A_385, %dma_wait3A_386] : memref<1000000x64xf32, #tpu.memory_space<hbm>> -> memref<1000000x64xf32, #tpu.memory_space<hbm>>
    tpu.wait_indirect_dma semaphore(%arg10 : memref<!tpu.dma_semaphore, #tpu.memory_space<semaphore_mem>>) src(%dma_wait3A_387 : memref<1000000x64xf32, #tpu.memory_space<hbm>>) dst(%dma_wait3A_381 : memref<128x64xf32, #tpu.memory_space<vmem>>)
    %dma_wait3A_388 = arith.constant 2 : i32
    %dma_wait3A_389 = arith.constant 2 : i32
    %dma_wait3A_390 = arith.constant 128 : i32
    %dma_wait3A_391 = arith.constant 0 : i32
    %dma_wait3A_392 = tpu.memref_slice %arg8[%dma_wait3A_389, %dma_wait3A_390, %dma_wait3A_391] : memref<4x200x64xf32, #tpu.memory_space<vmem>> -> memref<1x72x64xf32, #tpu.memory_space<vmem>>
    %dma_wait3A_393 = tpu.memref_squeeze %dma_wait3A_392 : memref<1x72x64xf32, #tpu.memory_space<vmem>> -> memref<72x64xf32, #tpu.memory_space<vmem>>
    %dma_wait3A_394 = arith.constant 128 : i32
    %dma_wait3A_395 = tpu.memref_slice %arg6[%dma_wait3A_388, %dma_wait3A_394] : memref<4x200xi32, #tpu.memory_space<vmem>> -> memref<1x72xi32, #tpu.memory_space<vmem>>
    %dma_wait3A_396 = tpu.memref_squeeze %dma_wait3A_395 : memref<1x72xi32, #tpu.memory_space<vmem>> -> memref<72xi32, #tpu.memory_space<vmem>>
    %dma_wait3A_397 = arith.constant 0 : i32
    %dma_wait3A_398 = arith.constant 0 : i32
    %dma_wait3A_399 = tpu.memref_slice %arg3[%dma_wait3A_397, %dma_wait3A_398] : memref<1000000x64xf32, #tpu.memory_space<hbm>> -> memref<1000000x64xf32, #tpu.memory_space<hbm>>
    tpu.wait_indirect_dma semaphore(%arg10 : memref<!tpu.dma_semaphore, #tpu.memory_space<semaphore_mem>>) src(%dma_wait3A_399 : memref<1000000x64xf32, #tpu.memory_space<hbm>>) dst(%dma_wait3A_393 : memref<72x64xf32, #tpu.memory_space<vmem>>)
    %dma_wait3A_400 = arith.constant 3 : i32
    %dma_wait3A_401 = arith.constant 3 : i32
    %dma_wait3A_402 = arith.constant 0 : i32
    %dma_wait3A_403 = arith.constant 0 : i32
    %dma_wait3A_404 = tpu.memref_slice %arg8[%dma_wait3A_401, %dma_wait3A_402, %dma_wait3A_403] : memref<4x200x64xf32, #tpu.memory_space<vmem>> -> memref<1x128x64xf32, #tpu.memory_space<vmem>>
    %dma_wait3A_405 = tpu.memref_squeeze %dma_wait3A_404 : memref<1x128x64xf32, #tpu.memory_space<vmem>> -> memref<128x64xf32, #tpu.memory_space<vmem>>
    %dma_wait3A_406 = arith.constant 0 : i32
    %dma_wait3A_407 = tpu.memref_slice %arg6[%dma_wait3A_400, %dma_wait3A_406] : memref<4x200xi32, #tpu.memory_space<vmem>> -> memref<1x128xi32, #tpu.memory_space<vmem>>
    %dma_wait3A_408 = tpu.memref_squeeze %dma_wait3A_407 : memref<1x128xi32, #tpu.memory_space<vmem>> -> memref<128xi32, #tpu.memory_space<vmem>>
    %dma_wait3A_409 = arith.constant 0 : i32
    %dma_wait3A_410 = arith.constant 0 : i32
    %dma_wait3A_411 = tpu.memref_slice %arg3[%dma_wait3A_409, %dma_wait3A_410] : memref<1000000x64xf32, #tpu.memory_space<hbm>> -> memref<1000000x64xf32, #tpu.memory_space<hbm>>
    tpu.wait_indirect_dma semaphore(%arg10 : memref<!tpu.dma_semaphore, #tpu.memory_space<semaphore_mem>>) src(%dma_wait3A_411 : memref<1000000x64xf32, #tpu.memory_space<hbm>>) dst(%dma_wait3A_405 : memref<128x64xf32, #tpu.memory_space<vmem>>)
    %dma_wait3A_412 = arith.constant 3 : i32
    %dma_wait3A_413 = arith.constant 3 : i32
    %dma_wait3A_414 = arith.constant 128 : i32
    %dma_wait3A_415 = arith.constant 0 : i32
    %dma_wait3A_416 = tpu.memref_slice %arg8[%dma_wait3A_413, %dma_wait3A_414, %dma_wait3A_415] : memref<4x200x64xf32, #tpu.memory_space<vmem>> -> memref<1x72x64xf32, #tpu.memory_space<vmem>>
    %dma_wait3A_417 = tpu.memref_squeeze %dma_wait3A_416 : memref<1x72x64xf32, #tpu.memory_space<vmem>> -> memref<72x64xf32, #tpu.memory_space<vmem>>
    %dma_wait3A_418 = arith.constant 128 : i32
    %dma_wait3A_419 = tpu.memref_slice %arg6[%dma_wait3A_412, %dma_wait3A_418] : memref<4x200xi32, #tpu.memory_space<vmem>> -> memref<1x72xi32, #tpu.memory_space<vmem>>
    %dma_wait3A_420 = tpu.memref_squeeze %dma_wait3A_419 : memref<1x72xi32, #tpu.memory_space<vmem>> -> memref<72xi32, #tpu.memory_space<vmem>>
    %dma_wait3A_421 = arith.constant 0 : i32
    %dma_wait3A_422 = arith.constant 0 : i32
    %dma_wait3A_423 = tpu.memref_slice %arg3[%dma_wait3A_421, %dma_wait3A_422] : memref<1000000x64xf32, #tpu.memory_space<hbm>> -> memref<1000000x64xf32, #tpu.memory_space<hbm>>
    tpu.wait_indirect_dma semaphore(%arg10 : memref<!tpu.dma_semaphore, #tpu.memory_space<semaphore_mem>>) src(%dma_wait3A_423 : memref<1000000x64xf32, #tpu.memory_space<hbm>>) dst(%dma_wait3A_417 : memref<72x64xf32, #tpu.memory_space<vmem>>)
    %add3A_424 = arith.constant 508 : i32
    %add3A_425 = arith.addi %mul3A_2, %add3A_424 : i32
    %dma_start3A_426 = arith.constant 0 : i32
    %dma_start3A_427 = arith.constant 0 : i32
    %dma_start3A_428 = tpu.memref_slice %arg4[%add3A_425, %dma_start3A_426, %dma_start3A_427] : memref<16384x200x128xf32, #tpu.memory_space<hbm>> -> memref<4x200x64xf32, #tpu.memory_space<hbm>>
    %dma_start3A_429 = arith.constant 0 : i32
    %dma_start3A_430 = arith.constant 0 : i32
    %dma_start3A_431 = tpu.memref_slice %arg4[%add3A_425, %dma_start3A_429, %dma_start3A_430] : memref<16384x200x128xf32, #tpu.memory_space<hbm>> -> memref<4x200x64xf32, #tpu.memory_space<hbm>>
    tpu.enqueue_dma source(%arg8 : memref<4x200x64xf32, #tpu.memory_space<vmem>>) target(%dma_start3A_431 : memref<4x200x64xf32, #tpu.memory_space<hbm>>) target_semaphore(%arg12 : memref<!tpu.dma_semaphore, #tpu.memory_space<semaphore_mem>>)
    %dma_wait3A_432 = arith.constant 0 : i32
    %dma_wait3A_433 = arith.constant 0 : i32
    %dma_wait3A_434 = tpu.memref_slice %arg2[%dma_wait3A_432, %dma_wait3A_433] : memref<16384x200xi32, #tpu.memory_space<hbm>> -> memref<4x200xi32, #tpu.memory_space<hbm>>
    %dma_wait3A_435 = arith.constant 0 : i32
    %dma_wait3A_436 = arith.constant 0 : i32
    %dma_wait3A_437 = tpu.memref_slice %arg2[%dma_wait3A_435, %dma_wait3A_436] : memref<16384x200xi32, #tpu.memory_space<hbm>> -> memref<4x200xi32, #tpu.memory_space<hbm>>
    tpu.wait_dma2 semaphore(%arg13 : memref<!tpu.dma_semaphore, #tpu.memory_space<semaphore_mem>>) src(%dma_wait3A_437 : memref<4x200xi32, #tpu.memory_space<hbm>>) dst(%arg5 : memref<4x200xi32, #tpu.memory_space<vmem>>)
    %dma_wait3A_438 = arith.constant 0 : i32
    %dma_wait3A_439 = arith.constant 0 : i32
    %dma_wait3A_440 = arith.constant 0 : i32
    %dma_wait3A_441 = tpu.memref_slice %arg4[%dma_wait3A_438, %dma_wait3A_439, %dma_wait3A_440] : memref<16384x200x128xf32, #tpu.memory_space<hbm>> -> memref<4x200x64xf32, #tpu.memory_space<hbm>>
    %dma_wait3A_442 = arith.constant 0 : i32
    %dma_wait3A_443 = arith.constant 0 : i32
    %dma_wait3A_444 = arith.constant 0 : i32
    %dma_wait3A_445 = tpu.memref_slice %arg4[%dma_wait3A_442, %dma_wait3A_443, %dma_wait3A_444] : memref<16384x200x128xf32, #tpu.memory_space<hbm>> -> memref<4x200x64xf32, #tpu.memory_space<hbm>>
    tpu.wait_dma2 semaphore(%arg12 : memref<!tpu.dma_semaphore, #tpu.memory_space<semaphore_mem>>) src(%arg8 : memref<4x200x64xf32, #tpu.memory_space<vmem>>) dst(%dma_wait3A_445 : memref<4x200x64xf32, #tpu.memory_space<hbm>>)
    return
  }
}

</mosaic_0001>

<sc_bundles>
// kernel: kernel.3.cloned.1.call-start
scs
__scs_entry_jumppad:
0x0: {  	(pc) =	sbr.rel $0x88, $3  }
0x1: {  	(tag) =	ssettag $0x0;
	lr =	simm.s32 $0x1  }
0x2: {  	[smem:$0x3F9F] =	sst lr;
	_ =	strace $0xD0000000  }
0x3: {  	_ = 	snop  }
0x4: {  	_ = 	snop  }
0x5: {  	_ = 	snop  }
0x6: {  	_ = 	snop  }
0x7: {  	_ = 	snop  }
__scs_overlays_trampoline_lowered:
0x8: {  	[smem:$0x3FAE] =	sst s0  }
0x9: {  	[smem:$0x3FAF] =	sst s1  }
0xa: {  	[smem:$0x3FB0] =	sst s2  }
0xb: {  	[smem:$0x3FB1] =	sst s3  }
0xc: {  	[smem:$0x3FB2] =	sst s4  }
0xd: {  	[smem:$0x3FB3] =	sst s5  }
0xe: {  	[smem:$0x3FB4] =	sst s6  }
0xf: {  	[smem:$0x3FB5] =	sst s7  }
0x10: {  	[smem:$0x3FB6] =	sst s8  }
0x11: {  	[smem:$0x3FB7] =	sst s9;
	s0 =	simm.s32 @!p0 $0x0  }
0x12: {  	s1 =	sld [smem:$0x3F9D];
	s0 =	simm.s32 @p0 $0x1  }
0x13: {  	[smem:$0x3FB8] =	sst s0;
	s0 =	simm.s32 @!p1 $0x0  }
0x14: {  	s2 =	sld [smem:$0x3F9C];
	s0 =	simm.s32 @p1 $0x1  }
0x15: {  	[smem:$0x3FB9] =	sst s0;
	s0 =	simm.s32 @!p2 $0x0  }
0x16: {  	s3 =	sld [smem:$0x3FDB];
	s0 =	simm.s32 @p2 $0x1  }
0x17: {  	s4 =	simm.s32 $0x1BF5;
	[smem:$0x3FBB] =	sst s0  }
0x18: {  	s0 =	sld [smem:$0x3F9E];
	_ =	swait.ge [sflag:s4], $0x0  }
0x19: {  	s7 =	sld [smem:$0x3F9F]  }
0x1a: {  	s8 =	sadd.s32 $0xFFFFE003, lr  }
0x1b: {  	s9 =	sadd.s32 $0xFFFFFEF7, lr;
	s5 =	simm.s32 $0xFFFFFFFF;
	p2 =	slt.u32 s8, $0xFFFFF086  }
0x1c: {  	p1 =	slt.u32 s9, $0xF7A;
	s5 =	simm.s32 @!p2 $0x0  }
0x1d: {  	s5 =	simm.s32 @p1 $0x1;
	p0 =	seq.s32 s7, s2  }
0x1e: {  	s7 =	smul.u32 @!p0 $0xF7A, s2;
	p2 =	seq.s32 @!p0 s5, $0x0  }
0x1f: {  	s9 =	smul.u32 $0xF7A, s1;
	s8 =	simm.s32 @!p0 $0x1BF5;
	p2 =	por !p2, p0  }
0x20: {  	[sflag:s8] =	ssyncset.s32 @!p0 $0xFFFFF086;
	s6 =	sadd.s32 @!p0 s3, s7;
	s7 =	simm.s32 @!p0 $0x108  }
0x21: {  	s3 =	sadd.s32 s3, s9;
	s6 =	sadd.s32 @!p0 $0x88, s6;
	s7 =	simm.s32 @p2 $0x1082  }
0x22: {  	[simem:s7], [sflag:s8] =	dma.local @!p0 [hbm:s6], $0xF7A  }
0x23: {  	s9 =	sor.u32 $0xD0000000, s2;
	s6 =	simm.s32 $0x108;
	_ =	swait.ge @!p0 [sflag:s8], $0x0  }
0x24: {  	s3 =	sadd.s32 $0x88, s3;
	s6 =	simm.s32 @!p1 $0x1082;
	[sflag:s4] =	ssyncset.s32 $0xFFFFF086  }
0x25: {  	[simem:s6], [sflag:s4] =	dma.local [hbm:s3], $0xF7A  }
0x26: {  	[smem:$0x3F9F] =	sst s1;
	(tag) =	ssettag s2;
	_ =	strace s9  }
0x27: {  	s1 =	sld [smem:$0x3FAF]  }
0x28: {  	s2 =	sld [smem:$0x3FB0]  }
0x29: {  	s4 =	sld [smem:$0x3FB2]  }
0x2a: {  	p0 =	seq.s32 s5, $0x0;
	s5 =	sld [smem:$0x3FB3]  }
0x2b: {  	s6 =	sld [smem:$0x3FB4]  }
0x2c: {  	s7 =	sld [smem:$0x3FB5]  }
0x2d: {  	s3 =	simm.s32 $0x108;
	s8 =	sld [smem:$0x3FB6]  }
0x2e: {  	s3 =	simm.s32 @!p0 $0x1082;
	s9 =	sld [smem:$0x3FB7]  }
0x2f: {  	lr =	sadd.s32 s0, s3;
	s0 =	sld [smem:$0x3FAE]  }
0x30: {  	s3 =	sld [smem:$0x3FB1]  }
0x31: {  	[smem:$0x3FBA] =	sst s10  }
0x32: {  	s10 =	sld [smem:$0x3FB8];
	_ =	sdelay $0x3  }
0x33: {  	p0 =	seq.s32 s10, $0x1;
	s10 =	sld [smem:$0x3FBA];
	_ =	sdelay $0x3  }
0x34: {  	[smem:$0x3FBA] =	sst s10  }
0x35: {  	s10 =	sld [smem:$0x3FB9];
	_ =	sdelay $0x3  }
0x36: {  	p1 =	seq.s32 s10, $0x1;
	s10 =	sld [smem:$0x3FBA];
	_ =	sdelay $0x3  }
0x37: {  	[smem:$0x3FBA] =	sst s10  }
0x38: {  	s10 =	sld [smem:$0x3FBB]  }
0x39: {  	_ = 	snop;
	(pc) =	sbr.ind lr, $3  }
0x3a: {  	_ = 	snop  }
0x3b: {  	_ = 	snop  }
0x3c: {  	p2 =	seq.s32 s10, $0x1;
	s10 =	sld [smem:$0x3FBA]  }
0x3d: {  	_ =	shalt  }
0x3e: {  	_ =	shalt  }
0x3f: {  	_ =	shalt  }
0x40: {  	_ =	shalt  }
0x41: {  	_ =	shalt  }
0x42: {  	_ =	shalt  }
0x43: {  	_ =	shalt  }
0x44: {  	_ =	shalt  }
0x45: {  	_ =	shalt  }
0x46: {  	_ =	shalt  }
0x47: {  	_ =	shalt  }
0x48: {  	_ =	shalt  }
0x49: {  	_ =	shalt  }
0x4a: {  	_ =	shalt  }
0x4b: {  	_ =	shalt  }
0x4c: {  	_ =	shalt  }
0x4d: {  	_ =	shalt  }
0x4e: {  	_ =	shalt  }
0x4f: {  	_ =	shalt  }
0x50: {  	_ =	shalt  }
0x51: {  	_ =	shalt  }
0x52: {  	_ =	shalt  }
0x53: {  	_ =	shalt  }
0x54: {  	_ =	shalt  }
0x55: {  	_ =	shalt  }
0x56: {  	_ =	shalt  }
0x57: {  	_ =	shalt  }
0x58: {  	_ =	shalt  }
0x59: {  	_ =	shalt  }
0x5a: {  	_ =	shalt  }
0x5b: {  	_ =	shalt  }
0x5c: {  	_ =	shalt  }
0x5d: {  	_ =	shalt  }
0x5e: {  	_ =	shalt  }
0x5f: {  	_ =	shalt  }
0x60: {  	_ =	shalt  }
0x61: {  	_ =	shalt  }
0x62: {  	_ =	shalt  }
0x63: {  	_ =	shalt  }
0x64: {  	_ =	shalt  }
0x65: {  	_ =	shalt  }
0x66: {  	_ =	shalt  }
0x67: {  	_ =	shalt  }
0x68: {  	_ =	shalt  }
0x69: {  	_ =	shalt  }
0x6a: {  	_ =	shalt  }
0x6b: {  	_ =	shalt  }
0x6c: {  	_ =	shalt  }
0x6d: {  	_ =	shalt  }
0x6e: {  	_ =	shalt  }
0x6f: {  	_ =	shalt  }
0x70: {  	_ =	shalt  }
0x71: {  	_ =	shalt  }
0x72: {  	_ =	shalt  }
0x73: {  	_ =	shalt  }
0x74: {  	_ =	shalt  }
0x75: {  	_ =	shalt  }
0x76: {  	_ =	shalt  }
0x77: {  	_ =	shalt  }
0x78: {  	_ =	shalt  }
0x79: {  	_ =	shalt  }
0x7a: {  	_ =	shalt  }
0x7b: {  	_ =	shalt  }
0x7c: {  	_ =	shalt  }
0x7d: {  	_ =	shalt  }
0x7e: {  	_ =	shalt  }
0x7f: {  	_ =	shalt  }
0x80: {  	_ =	shalt  }
0x81: {  	_ =	shalt  }
0x82: {  	_ =	shalt  }
0x83: {  	_ =	shalt  }
0x84: {  	_ =	shalt  }
0x85: {  	_ =	shalt  }
0x86: {  	_ =	shalt  }
0x87: {  	_ =	shalt  }
.Lfunc_end0:
.L_simem_size_0:
called_computation.1_lowered:
.L_overlay_start_0:
0x88: {  	s2 =	sld [smem:$0x3FD9]  }
0x89: {  	s3 =	sld [smem:$0x3FFE];
	_ =	sdelay $0x1  }
0x8a: {  	s1 =	srdreg.scid  }
0x8b: {  	s0 =	sand.u32 $0x1, s1  }
0x8c: {  	s16 =	sshll.u32 s0, $0xA;
	s2 =	sadd.s32 s3, s2  }
0x8d: {  	s2 =	sadd.s32 s2, s16  }
0x8e: {  	[smem:$0x3FC6] =	sst s2  }
0x8f: {  	_ = 	snop  }
0x90: {  	(tm) =	ssettm $0x1  }
0x91: {  	s17 =	sld [smem:$0x3FFB];
	_ =	sdelay $0x3  }
0x92: {  	_ =	strace s17  }
0x93: {  	s2 =	sld [smem:$0x3FFC];
	_ =	sdelay $0x3  }
0x94: {  	_ =	strace s2  }
0x95: {  	s2 =	sld [smem:$0x3FFD];
	_ =	sdelay $0x3  }
0x96: {  	_ =	strace s2  }
0x97: {  	_ =	strace $0x8FFFFFFF  }
0x98: {  	s18 =	sld [smem:$0x3FDB];
	_ =	sdelay $0x1  }
0x99: {  	s19 =	simm.s32 $_scs_section_size  }
0x9a: {  	s4 =	simm.s32 $_size__tile_overlayer_lowered;
	s5 =	simm.s32 $_tile_overlayer_lowered  }
0x9b: {  	s22 =	simm.s32 $0x1BFF;
	s21 =	sshll.u32 s5, $0x1;
	s2 =	sadd.s32 s19, s18  }
0x9c: {  	s6 =	simm.s32 $0x0;
	s20 =	sshll.u32 s4, $0x1;
	s4 =	sadd.s32 s21, s2  }
0x9d: {  	[timem:s6], [sflag:s22] =	dma.local [hbm:s4], s20  }
0x9e: {  	_ =	swait.ge [sflag:s22], s20  }
0x9f: {  	s3 =	ssub.s32 $0x0, s20;
	[sflag:s22] =	ssyncset.done $0x0  }
0xa0: {  	[sflag:s22] =	ssyncadd.s32 s3;
	_ =	sdelay $0x1  }
0xa1: {  	s23 =	simm.s32 $0x1B8B  }
0xa2: {  	_ =	swait.ge [sflag:s23], $0x1  }
0xa3: {  	[sflag:s23] =	ssyncset.done $0x0  }
0xa4: {  	s25 =	simm.s32 $0x1B8E;
	s24 =	sld [smem:$0x3FFE];
	[sflag:s23] =	ssyncadd.s32 $0xFFFFFFFF  }
0xa5: {  	s26 =	simm.s32 $execute0_lowered;
	[smem:$0x3FD2] =	sst s25  }
0xa6: {  	s4 =	sshll.u32 s26, $0x1;
	_ =	strace $0x80000046;
	[dreg:$0x1] =	wrdreg $0xFFFFFFFF  }
0xa7: {  	s28 =	simm.s32 $_size_execute0_lowered;
	s2 =	sadd.s32 s2, s4;
	[dreg:$0x0] =	wrdreg $0x0  }
0xa8: {  	s4 =	sshll.u32 s28, $0x1;
	[dreg:$0x2] =	wrdreg s2  }
0xa9: {  	[dreg:$0x3] =	wrdreg s4  }
0xaa: {  	[dreg:$0x4] =	wrdreg $0xC0  }
0xab: {  	_ =	task [dreg:s6], $0x5FFFF  }
0xac: {  	[dreg:$0x1] =	wrdreg $0xFFFFFFFF  }
0xad: {  	[dreg:$0x0] =	wrdreg $0x60  }
0xae: {  	[dreg:$0x2] =	wrdreg s24  }
0xaf: {  	[dreg:$0x3] =	wrdreg $0x9  }
0xb0: {  	_ =	task.clear_ibuf [dreg:s6], $0x4FFFF;
	_ =	strace $0x90000046  }
0xb1: {  	s29 =	simm.s32 $0x9;
	_ =	strace $0x80000048  }
0xb2: {  	_ =	swait.ge [sflag:s29], $0x1  }
0xb3: {  	[sflag:s29] =	ssyncadd.s32 $0xFFFFFFFF  }
0xb4: {  	_ =	strace $0x90000048  }
0xb5: {  	_ =	sfence  }
0xb6: {  	s30 =	sld [smem:$0x0];
	_ =	sdelay $0x2  }
0xb7: {  	s31 =	sshll.u32 s1, $0xD;
	s1 =	sshrl.u32 s1, $0x2  }
0xb8: {  	s3 =	sand.u32 $0x4000, s31;
	s1 =	sadd.s32 s1, s30  }
0xb9: {  	s0 =	sor.u32 s3, s0;
	s1 =	sshll.u32 s1, $0x11  }
0xba: {  	s0 =	sor.u32 s1, s0  }
0xbb: {  	s0 =	sadd.s32 $0x8F2B, s0  }
0xbc: {  	[sflag:s0] =	ssyncadd.remote.s32 $0x1  }
0xbd: {  	_ =	sfence.sel $0xFFFF  }
0xbe: {  	[dreg:$0x0] =	wrdreg $0xFFFFFFFF;
	(pc) =	sbr.abs _section_cstart, $3  }
0xbf: {  	[dreg:$0x1] =	wrdreg $0xFFFFFFFF  }
0xc0: {  	_ =	task.clear_ibuf [dreg:s6], $0x2FFFF;
	_ =	strace $0x9FFFFFFF  }
0xc1: {  	(tm) =	ssettm $0x7FFFFFFF  }
tec
execute0_lowered:
.L_overlay_start_1:
0x0: {  	(tag) =	ssettag $0x1  }
0x1: {  	s0 =	rddreg [dreg:$0x0]  }
0x2: {  	s1 =	srdreg.scid;
	s2 =	simm.s32 $0x0;
	s10 =	stileid.u32  }
0x3: {  	s14 =	simm.s32 $0x80;
	s15 =	simm.s32 $0x640;
	s16 =	simm.s32 $0x48  }
0x4: {  	s12 =	simm.s32 $0x6A40;
	s13 =	simm.s32 $0x210;
	s31 =	simm.s32 $0x320  }
0x5: {  	s29 =	simm.s32 $0x3A0;
	s30 =	simm.s32 $0xEE40;
	s28 =	simm.s32 $0x4  }
0x6: {  	s1 =	sand.u32 $0x1, s1;
	[smem:$0x7FF] =	sst s2;
	s20 =	smul.u32 $0x320000, s10  }
0x7: {  	s4 =	sshll.u32 s10, $0xA;
	s3 =	sadd.s32 $0x800, s0;
	s24 =	smul.u32 $0x6400, s10  }
0x8: {  	s10 =	simm.s32 $0x5840;
	s5 =	sshll.u32 s1, $0x9;
	s22 =	smul.u32 $0x190000, s1  }
0x9: {  	_ =	strace $0x80000047;
	s6 =	ssub.s32 $0x2, s1;
	s1 =	smul.u32 $0x3200, s1  }
0xa: {  	s5 =	sor.u32 s5, s4;
	s4 =	sadd.s32 $0x64800, s0;
	s0 =	sadd.s32 $0x805A00, s0  }
0xb: {  	s8 =	sshrl.u32 s6, $0x1;
	s25 =	sadd.s32 s24, s3;
	s7 =	smul.u32 $0x19, s5  }
0xc: {  	s24 =	simm.s32 $0x3;
	s9 =	smul.u32 $0xC80, s5;
	s6 =	ssub.s32 s6, s8  }
0xd: {  	s17 =	smul.u32 $0x6400, s5;
	s5 =	sor.u32 $0x8, s5;
	s26 =	sadd.s32 s1, s25  }
0xe: {  	s8 =	simm.s32 $0xC8;
	s1 =	simm.s32 $0xCE40;
	s25 =	simm.s32 $0x5  }
0xf: {  	[dreg:$0x2] =	wrdreg s5;
	s6 =	smax.u32 s6, $0x1;
	s11 =	sadd.s32 s3, s7  }
0x10: {  	s19 =	sadd.s32 s0, s9;
	s23 =	sshrl.u32 s17, $0x3;
	[dreg:$0x8] =	wrdreg s6  }
0x11: {  	s7 =	simm.s32 $0x2640;
	s9 =	simm.s32 $0x148;
	s17 =	simm.s32 $0x8A40  }
0x12: {  	s6 =	simm.s32 $0x0;
	s18 =	sadd.s32 $0x64, s11;
	[dreg:$0x5] =	wrdreg s19  }
0x13: {  	[dreg:$0x3] =	wrdreg s11;
	s21 =	sadd.s32 $0xC8, s11;
	s5 =	sadd.s32 s0, s23  }
0x14: {  	s0 =	sadd.s32 s20, s0;
	s11 =	simm.s32 $0x190;
	[dreg:$0xb] =	wrdreg s6  }
0x15: {  	s19 =	simm.s32 $0x9C40;
	s20 =	simm.s32 $0x2D8;
	[dreg:$0x4] =	wrdreg s18  }
0x16: {  	s23 =	simm.s32 $0x40;
	[dreg:$0x6] =	wrdreg s21;
	s5 =	sadd.s32 $0x18CE00, s5  }
0x17: {  	s0 =	sadd.s32 s22, s0;
	s18 =	simm.s32 $0x258;
	s21 =	simm.s32 $0xBC40  }
0x18: {  	s22 =	simm.s32 $0x1;
	[dreg:$0x7] =	wrdreg s5;
	s0 =	sadd.s32 $0x6400, s0  }
0x19: {  	s5 =	simm.s32 $0x3840;
	[dreg:$0x9] =	wrdreg s0;
	s0 =	sadd.s32 $0x12C, s26  }
0x1a: {  	s26 =	simm.s32 $0x2;
	[dreg:$0xa] =	wrdreg s0;
	s0 =	simm.s32 $0x6  }
.LBB2_1:
0x1b: {  	s6 =	rddreg [dreg:$0x3]  }
0x1c: {  	[tilespmem:s2], [sflag:$0x7] =	stream.linear.gather [hbm4b:s6+s2], $0x320, $0x38;
	[tilespmem:$0x19640] =	vst v63  }
0x1d: {  	s6 =	simm.s32 $0x7  }
0x1e: {  	_ =	swait.ge [sflag:s6], $0x320  }
0x1f: {  	[sflag:s6] =	ssyncset.done $0x0  }
0x20: {  	[sflag:s6] =	ssyncadd.s32 $0xFFFFFCE0  }
0x21: {  	[tilespmem:s15], [sflag:$0x1] =	stream.indirect.gather [hbm4b:s4+s14], $0x40, s2, s14, $0xb8;
	[tilespmem:$0x19640] =	vst v63  }
0x22: {  	_ = 	snop  }
0x23: {  	[tilespmem:s7], [sflag:$0x1] =	stream.indirect.gather [hbm4b:s4+s16], $0x40, s14, s16, $0xb8;
	[tilespmem:$0x19640] =	vst v63  }
0x24: {  	_ = 	snop  }
0x25: {  	[tilespmem:s5], [sflag:$0x1] =	stream.indirect.gather [hbm4b:s4+s14], $0x40, s8, s14, $0xb8;
	[tilespmem:$0x19640] =	vst v63  }
0x26: {  	_ = 	snop  }
0x27: {  	[tilespmem:s10], [sflag:$0x1] =	stream.indirect.gather [hbm4b:s4+s16], $0x40, s9, s16, $0xb8;
	[tilespmem:$0x19640] =	vst v63  }
0x28: {  	_ = 	snop  }
0x29: {  	[tilespmem:s12], [sflag:$0x1] =	stream.indirect.gather [hbm4b:s4+s14], $0x40, s11, s14, $0xb8;
	[tilespmem:$0x19640] =	vst v63  }
0x2a: {  	_ = 	snop  }
0x2b: {  	[tilespmem:s17], [sflag:$0x1] =	stream.indirect.gather [hbm4b:s4+s16], $0x40, s13, s16, $0xb8;
	[tilespmem:$0x19640] =	vst v63  }
0x2c: {  	_ = 	snop  }
0x2d: {  	[tilespmem:s19], [sflag:$0x1] =	stream.indirect.gather [hbm4b:s4+s14], $0x40, s18, s14, $0xb8;
	[tilespmem:$0x19640] =	vst v63  }
0x2e: {  	_ = 	snop  }
0x2f: {  	[tilespmem:s21], [sflag:$0x1] =	stream.indirect.gather [hbm4b:s4+s16], $0x40, s20, s16, $0xb8;
	[tilespmem:$0x19640] =	vst v63  }
0x30: {  	s6 =	rddreg [dreg:$0x4]  }
0x31: {  	[tilespmem:s31], [sflag:$0x6] =	stream.linear.gather [hbm4b:s6+s2], $0x320, $0x38;
	[tilespmem:$0x19640] =	vst v63  }
0x32: {  	_ =	swait.ge [sflag:s0], $0x320  }
0x33: {  	[sflag:s0] =	ssyncset.done $0x0  }
0x34: {  	[sflag:s0] =	ssyncadd.s32 $0xFFFFFCE0  }
0x35: {  	[tilespmem:s1], [sflag:$0x2] =	stream.indirect.gather [hbm4b:s4+s14], $0x40, s31, s14, $0xb8;
	[tilespmem:$0x19640] =	vst v63  }
0x36: {  	_ = 	snop  }
0x37: {  	[tilespmem:s30], [sflag:$0x2] =	stream.indirect.gather [hbm4b:s4+s16], $0x40, s29, s16, $0xb8;
	[tilespmem:$0x19640] =	vst v63  }
0x38: {  	s6 =	simm.s32 $0x3E8;
	s29 =	simm.s32 $0x10040  }
0x39: {  	[tilespmem:s29], [sflag:$0x2] =	stream.indirect.gather [hbm4b:s4+s14], $0x40, s6, s14, $0xb8;
	[tilespmem:$0x19640] =	vst v63  }
0x3a: {  	s6 =	simm.s32 $0x468;
	s29 =	simm.s32 $0x12040  }
0x3b: {  	[tilespmem:s29], [sflag:$0x2] =	stream.indirect.gather [hbm4b:s4+s16], $0x40, s6, s16, $0xb8;
	[tilespmem:$0x19640] =	vst v63  }
0x3c: {  	s6 =	simm.s32 $0x4B0;
	s29 =	simm.s32 $0x13240  }
0x3d: {  	[tilespmem:s29], [sflag:$0x2] =	stream.indirect.gather [hbm4b:s4+s14], $0x40, s6, s14, $0xb8;
	[tilespmem:$0x19640] =	vst v63  }
0x3e: {  	s6 =	simm.s32 $0x530;
	s29 =	simm.s32 $0x15240  }
0x3f: {  	[tilespmem:s29], [sflag:$0x2] =	stream.indirect.gather [hbm4b:s4+s16], $0x40, s6, s16, $0xb8;
	[tilespmem:$0x19640] =	vst v63  }
0x40: {  	s6 =	simm.s32 $0x578;
	s29 =	simm.s32 $0x16440  }
0x41: {  	[tilespmem:s29], [sflag:$0x2] =	stream.indirect.gather [hbm4b:s4+s14], $0x40, s6, s14, $0xb8;
	[tilespmem:$0x19640] =	vst v63  }
0x42: {  	s6 =	simm.s32 $0x5F8;
	s29 =	simm.s32 $0x18440  }
0x43: {  	[tilespmem:s29], [sflag:$0x2] =	stream.indirect.gather [hbm4b:s4+s16], $0x40, s6, s16, $0xb8;
	[tilespmem:$0x19640] =	vst v63  }
0x44: {  	_ =	swait.ge [sflag:s22], $0x2000  }
0x45: {  	[sflag:s22] =	ssyncset.done $0x0  }
0x46: {  	[sflag:s22] =	ssyncadd.s32 $0xFFFFE000  }
0x47: {  	_ =	swait.ge [sflag:s22], $0x1200  }
0x48: {  	[sflag:s22] =	ssyncset.done $0x0  }
0x49: {  	[sflag:s22] =	ssyncadd.s32 $0xFFFFEE00  }
0x4a: {  	_ =	swait.ge [sflag:s22], $0x2000  }
0x4b: {  	[sflag:s22] =	ssyncset.done $0x0  }
0x4c: {  	[sflag:s22] =	ssyncadd.s32 $0xFFFFE000  }
0x4d: {  	_ =	swait.ge [sflag:s22], $0x1200  }
0x4e: {  	[sflag:s22] =	ssyncset.done $0x0  }
0x4f: {  	[sflag:s22] =	ssyncadd.s32 $0xFFFFEE00  }
0x50: {  	_ =	swait.ge [sflag:s22], $0x2000  }
0x51: {  	[sflag:s22] =	ssyncset.done $0x0  }
0x52: {  	[sflag:s22] =	ssyncadd.s32 $0xFFFFE000  }
0x53: {  	_ =	swait.ge [sflag:s22], $0x1200  }
0x54: {  	[sflag:s22] =	ssyncset.done $0x0  }
0x55: {  	[sflag:s22] =	ssyncadd.s32 $0xFFFFEE00  }
0x56: {  	_ =	swait.ge [sflag:s22], $0x2000  }
0x57: {  	[sflag:s22] =	ssyncset.done $0x0  }
0x58: {  	[sflag:s22] =	ssyncadd.s32 $0xFFFFE000  }
0x59: {  	_ =	swait.ge [sflag:s22], $0x1200  }
0x5a: {  	[sflag:s22] =	ssyncset.done $0x0  }
0x5b: {  	s6 =	rddreg [dreg:$0x5];
	[sflag:s22] =	ssyncadd.s32 $0xFFFFEE00  }
0x5c: {  	[hbm4b:s6+s23] =	stream.strided.scatter [tilespmem:s15], [sflag:$0x3], $0xC800, s14, s23, $0x38;
	[tilespmem:$0x19640] =	vst v63  }
0x5d: {  	s6 =	rddreg [dreg:$0x6]  }
0x5e: {  	[tilespmem:s2], [sflag:$0x5] =	stream.linear.gather [hbm4b:s6+s2], $0x320, $0x38;
	[tilespmem:$0x19640] =	vst v63  }
0x5f: {  	_ =	swait.ge [sflag:s24], $0xC800  }
0x60: {  	[sflag:s24] =	ssyncset.done $0x0  }
0x61: {  	[sflag:s24] =	ssyncadd.s32 $0xFFFF3800  }
0x62: {  	_ =	swait.ge [sflag:s25], $0x320  }
0x63: {  	[sflag:s25] =	ssyncset.done $0x0  }
0x64: {  	[sflag:s25] =	ssyncadd.s32 $0xFFFFFCE0  }
0x65: {  	[tilespmem:s15], [sflag:$0x1] =	stream.indirect.gather [hbm4b:s4+s14], $0x40, s2, s14, $0xb8;
	[tilespmem:$0x19640] =	vst v63  }
0x66: {  	_ = 	snop  }
0x67: {  	[tilespmem:s7], [sflag:$0x1] =	stream.indirect.gather [hbm4b:s4+s16], $0x40, s14, s16, $0xb8;
	[tilespmem:$0x19640] =	vst v63  }
0x68: {  	_ = 	snop  }
0x69: {  	[tilespmem:s5], [sflag:$0x1] =	stream.indirect.gather [hbm4b:s4+s14], $0x40, s8, s14, $0xb8;
	[tilespmem:$0x19640] =	vst v63  }
0x6a: {  	_ = 	snop  }
0x6b: {  	[tilespmem:s10], [sflag:$0x1] =	stream.indirect.gather [hbm4b:s4+s16], $0x40, s9, s16, $0xb8;
	[tilespmem:$0x19640] =	vst v63  }
0x6c: {  	_ = 	snop  }
0x6d: {  	[tilespmem:s12], [sflag:$0x1] =	stream.indirect.gather [hbm4b:s4+s14], $0x40, s11, s14, $0xb8;
	[tilespmem:$0x19640] =	vst v63  }
0x6e: {  	_ = 	snop  }
0x6f: {  	[tilespmem:s17], [sflag:$0x1] =	stream.indirect.gather [hbm4b:s4+s16], $0x40, s13, s16, $0xb8;
	[tilespmem:$0x19640] =	vst v63  }
0x70: {  	_ = 	snop  }
0x71: {  	[tilespmem:s19], [sflag:$0x1] =	stream.indirect.gather [hbm4b:s4+s14], $0x40, s18, s14, $0xb8;
	[tilespmem:$0x19640] =	vst v63  }
0x72: {  	_ = 	snop  }
0x73: {  	[tilespmem:s21], [sflag:$0x1] =	stream.indirect.gather [hbm4b:s4+s16], $0x40, s20, s16, $0xb8;
	[tilespmem:$0x19640] =	vst v63  }
0x74: {  	_ =	swait.ge [sflag:s26], $0x2000  }
0x75: {  	[sflag:s26] =	ssyncset.done $0x0  }
0x76: {  	[sflag:s26] =	ssyncadd.s32 $0xFFFFE000  }
0x77: {  	_ =	swait.ge [sflag:s26], $0x1200  }
0x78: {  	[sflag:s26] =	ssyncset.done $0x0  }
0x79: {  	[sflag:s26] =	ssyncadd.s32 $0xFFFFEE00  }
0x7a: {  	_ =	swait.ge [sflag:s26], $0x2000  }
0x7b: {  	[sflag:s26] =	ssyncset.done $0x0  }
0x7c: {  	[sflag:s26] =	ssyncadd.s32 $0xFFFFE000  }
0x7d: {  	_ =	swait.ge [sflag:s26], $0x1200  }
0x7e: {  	[sflag:s26] =	ssyncset.done $0x0  }
0x7f: {  	[sflag:s26] =	ssyncadd.s32 $0xFFFFEE00  }
0x80: {  	_ =	swait.ge [sflag:s26], $0x2000  }
0x81: {  	[sflag:s26] =	ssyncset.done $0x0  }
0x82: {  	[sflag:s26] =	ssyncadd.s32 $0xFFFFE000  }
0x83: {  	_ =	swait.ge [sflag:s26], $0x1200  }
0x84: {  	[sflag:s26] =	ssyncset.done $0x0  }
0x85: {  	[sflag:s26] =	ssyncadd.s32 $0xFFFFEE00  }
0x86: {  	_ =	swait.ge [sflag:s26], $0x2000  }
0x87: {  	[sflag:s26] =	ssyncset.done $0x0  }
0x88: {  	[sflag:s26] =	ssyncadd.s32 $0xFFFFE000  }
0x89: {  	_ =	swait.ge [sflag:s26], $0x1200  }
0x8a: {  	[sflag:s26] =	ssyncset.done $0x0;
	s8 =	rddreg [dreg:$0x9]  }
0x8b: {  	[sflag:s26] =	ssyncadd.s32 $0xFFFFEE00;
	s7 =	sadd.s32 $0xFFFFCE00, s8  }
0x8c: {  	[hbm4b:s7+s23] =	stream.strided.scatter [tilespmem:s1], [sflag:$0x4], $0xC800, s14, s23, $0x38;
	[tilespmem:$0x19640] =	vst v63  }
0x8d: {  	s21 =	rddreg [dreg:$0xa]  }
0x8e: {  	[tilespmem:s31], [sflag:$0x6] =	stream.linear.gather [hbm4b:s21+s2], $0x320, $0x38;
	[tilespmem:$0x19640] =	vst v63  }
0x8f: {  	_ =	swait.ge [sflag:s28], $0xC800  }
0x90: {  	[sflag:s28] =	ssyncset.done $0x0  }
0x91: {  	[sflag:s28] =	ssyncadd.s32 $0xFFFF3800  }
0x92: {  	_ =	swait.ge [sflag:s0], $0x320  }
0x93: {  	[sflag:s0] =	ssyncset.done $0x0  }
0x94: {  	[sflag:s0] =	ssyncadd.s32 $0xFFFFFCE0  }
0x95: {  	[tilespmem:s1], [sflag:$0x2] =	stream.indirect.gather [hbm4b:s4+s14], $0x40, s31, s14, $0xb8;
	[tilespmem:$0x19640] =	vst v63  }
0x96: {  	s9 =	simm.s32 $0x3A0  }
0x97: {  	[tilespmem:s30], [sflag:$0x2] =	stream.indirect.gather [hbm4b:s4+s16], $0x40, s9, s16, $0xb8;
	[tilespmem:$0x19640] =	vst v63  }
0x98: {  	s10 =	simm.s32 $0x3E8;
	s11 =	simm.s32 $0x10040  }
0x99: {  	[tilespmem:s11], [sflag:$0x2] =	stream.indirect.gather [hbm4b:s4+s14], $0x40, s10, s14, $0xb8;
	[tilespmem:$0x19640] =	vst v63  }
0x9a: {  	s12 =	simm.s32 $0x468;
	s13 =	simm.s32 $0x12040  }
0x9b: {  	[tilespmem:s13], [sflag:$0x2] =	stream.indirect.gather [hbm4b:s4+s16], $0x40, s12, s16, $0xb8;
	[tilespmem:$0x19640] =	vst v63  }
0x9c: {  	s17 =	simm.s32 $0x4B0;
	s18 =	simm.s32 $0x13240  }
0x9d: {  	[tilespmem:s18], [sflag:$0x2] =	stream.indirect.gather [hbm4b:s4+s14], $0x40, s17, s14, $0xb8;
	[tilespmem:$0x19640] =	vst v63  }
0x9e: {  	s19 =	simm.s32 $0x530;
	s20 =	simm.s32 $0x15240  }
0x9f: {  	[tilespmem:s20], [sflag:$0x2] =	stream.indirect.gather [hbm4b:s4+s16], $0x40, s19, s16, $0xb8;
	[tilespmem:$0x19640] =	vst v63  }
0xa0: {  	s7 =	simm.s32 $0x578;
	s9 =	simm.s32 $0x16440  }
0xa1: {  	[tilespmem:s9], [sflag:$0x2] =	stream.indirect.gather [hbm4b:s4+s14], $0x40, s7, s14, $0xb8;
	[tilespmem:$0x19640] =	vst v63  }
0xa2: {  	s10 =	simm.s32 $0x5F8  }
0xa3: {  	[tilespmem:s29], [sflag:$0x2] =	stream.indirect.gather [hbm4b:s4+s16], $0x40, s10, s16, $0xb8;
	[tilespmem:$0x19640] =	vst v63  }
0xa4: {  	_ =	swait.ge [sflag:s22], $0x2000  }
0xa5: {  	[sflag:s22] =	ssyncset.done $0x0  }
0xa6: {  	[sflag:s22] =	ssyncadd.s32 $0xFFFFE000  }
0xa7: {  	_ =	swait.ge [sflag:s22], $0x1200  }
0xa8: {  	[sflag:s22] =	ssyncset.done $0x0  }
0xa9: {  	[sflag:s22] =	ssyncadd.s32 $0xFFFFEE00  }
0xaa: {  	_ =	swait.ge [sflag:s22], $0x2000  }
0xab: {  	[sflag:s22] =	ssyncset.done $0x0  }
0xac: {  	[sflag:s22] =	ssyncadd.s32 $0xFFFFE000  }
0xad: {  	_ =	swait.ge [sflag:s22], $0x1200  }
0xae: {  	[sflag:s22] =	ssyncset.done $0x0  }
0xaf: {  	[sflag:s22] =	ssyncadd.s32 $0xFFFFEE00  }
0xb0: {  	_ =	swait.ge [sflag:s22], $0x2000  }
0xb1: {  	[sflag:s22] =	ssyncset.done $0x0  }
0xb2: {  	[sflag:s22] =	ssyncadd.s32 $0xFFFFE000  }
0xb3: {  	_ =	swait.ge [sflag:s22], $0x1200  }
0xb4: {  	[sflag:s22] =	ssyncset.done $0x0  }
0xb5: {  	s5 =	simm.s32 $0x3840;
	[sflag:s22] =	ssyncadd.s32 $0xFFFFEE00  }
0xb6: {  	s30 =	sadd.s32 $0x6400, s8;
	s13 =	simm.s32 $0x148;
	_ =	swait.ge [sflag:s22], $0x2000  }
0xb7: {  	s12 =	smin.u32 s26, $0x7D;
	s17 =	simm.s32 $0x5F8;
	[sflag:s22] =	ssyncset.done $0x0  }
0xb8: {  	s18 =	simm.s32 $0x210;
	s19 =	simm.s32 $0x18440;
	[sflag:s22] =	ssyncadd.s32 $0xFFFFE000  }
0xb9: {  	s20 =	simm.s32 $0x258;
	s9 =	simm.s32 $0x2640;
	_ =	swait.ge [sflag:s22], $0x1200  }
0xba: {  	s7 =	sshll.u32 s12, $0x2;
	s12 =	simm.s32 $0xEE40;
	s11 =	rddreg [dreg:$0x2]  }
0xbb: {  	s10 =	simm.s32 $0x2D8;
	[sflag:s22] =	ssyncset.done $0x0;
	s6 =	sadd.s32 s7, s11  }
0xbc: {  	s29 =	simm.s32 $0x4;
	[sflag:s22] =	ssyncadd.s32 $0xFFFFEE00;
	s6 =	smul.u32 $0x19, s6  }
0xbd: {  	[hbm4b:s8+s23] =	stream.strided.scatter [tilespmem:s15], [sflag:$0x3], $0xC800, s14, s23, $0x38;
	[tilespmem:$0x19640] =	vst v63  }
0xbe: {  	s11 =	simm.s32 $0x3A0;
	s7 =	sadd.s32 s3, s6;
	s6 =	sadd.s32 $0xC8, s21  }
.LBB2_2:
0xbf: {  	[tilespmem:s2], [sflag:$0x5] =	stream.linear.gather [hbm4b:s7+s2], $0x320, $0x38;
	[tilespmem:$0x19640] =	vst v63  }
0xc0: {  	_ =	swait.ge [sflag:s24], $0xC800  }
0xc1: {  	[sflag:s24] =	ssyncset.done $0x0  }
0xc2: {  	[sflag:s24] =	ssyncadd.s32 $0xFFFF3800  }
0xc3: {  	_ =	swait.ge [sflag:s25], $0x320  }
0xc4: {  	[sflag:s25] =	ssyncset.done $0x0  }
0xc5: {  	[sflag:s25] =	ssyncadd.s32 $0xFFFFFCE0  }
0xc6: {  	[tilespmem:s15], [sflag:$0x1] =	stream.indirect.gather [hbm4b:s4+s14], $0x40, s2, s14, $0xb8;
	[tilespmem:$0x19640] =	vst v63  }
0xc7: {  	_ = 	snop  }
0xc8: {  	[tilespmem:s9], [sflag:$0x1] =	stream.indirect.gather [hbm4b:s4+s16], $0x40, s14, s16, $0xb8;
	[tilespmem:$0x19640] =	vst v63  }
0xc9: {  	s8 =	simm.s32 $0xC8  }
0xca: {  	[tilespmem:s5], [sflag:$0x1] =	stream.indirect.gather [hbm4b:s4+s14], $0x40, s8, s14, $0xb8;
	[tilespmem:$0x19640] =	vst v63  }
0xcb: {  	s21 =	simm.s32 $0x5840  }
0xcc: {  	[tilespmem:s21], [sflag:$0x1] =	stream.indirect.gather [hbm4b:s4+s16], $0x40, s13, s16, $0xb8;
	[tilespmem:$0x19640] =	vst v63  }
0xcd: {  	s8 =	simm.s32 $0x190;
	s21 =	simm.s32 $0x6A40  }
0xce: {  	[tilespmem:s21], [sflag:$0x1] =	stream.indirect.gather [hbm4b:s4+s14], $0x40, s8, s14, $0xb8;
	[tilespmem:$0x19640] =	vst v63  }
0xcf: {  	s21 =	simm.s32 $0x8A40  }
0xd0: {  	[tilespmem:s21], [sflag:$0x1] =	stream.indirect.gather [hbm4b:s4+s16], $0x40, s18, s16, $0xb8;
	[tilespmem:$0x19640] =	vst v63  }
0xd1: {  	s21 =	simm.s32 $0x9C40  }
0xd2: {  	[tilespmem:s21], [sflag:$0x1] =	stream.indirect.gather [hbm4b:s4+s14], $0x40, s20, s14, $0xb8;
	[tilespmem:$0x19640] =	vst v63  }
0xd3: {  	s21 =	simm.s32 $0xBC40  }
0xd4: {  	[tilespmem:s21], [sflag:$0x1] =	stream.indirect.gather [hbm4b:s4+s16], $0x40, s10, s16, $0xb8;
	[tilespmem:$0x19640] =	vst v63  }
0xd5: {  	_ =	swait.ge [sflag:s26], $0x2000  }
0xd6: {  	[sflag:s26] =	ssyncset.done $0x0  }
0xd7: {  	[sflag:s26] =	ssyncadd.s32 $0xFFFFE000  }
0xd8: {  	_ =	swait.ge [sflag:s26], $0x1200  }
0xd9: {  	[sflag:s26] =	ssyncset.done $0x0  }
0xda: {  	[sflag:s26] =	ssyncadd.s32 $0xFFFFEE00  }
0xdb: {  	_ =	swait.ge [sflag:s26], $0x2000  }
0xdc: {  	[sflag:s26] =	ssyncset.done $0x0  }
0xdd: {  	[sflag:s26] =	ssyncadd.s32 $0xFFFFE000  }
0xde: {  	_ =	swait.ge [sflag:s26], $0x1200  }
0xdf: {  	[sflag:s26] =	ssyncset.done $0x0  }
0xe0: {  	[sflag:s26] =	ssyncadd.s32 $0xFFFFEE00  }
0xe1: {  	_ =	swait.ge [sflag:s26], $0x2000  }
0xe2: {  	[sflag:s26] =	ssyncset.done $0x0  }
0xe3: {  	[sflag:s26] =	ssyncadd.s32 $0xFFFFE000  }
0xe4: {  	_ =	swait.ge [sflag:s26], $0x1200  }
0xe5: {  	[sflag:s26] =	ssyncset.done $0x0  }
0xe6: {  	[sflag:s26] =	ssyncadd.s32 $0xFFFFEE00  }
0xe7: {  	_ =	swait.ge [sflag:s26], $0x2000  }
0xe8: {  	[sflag:s26] =	ssyncset.done $0x0  }
0xe9: {  	[sflag:s26] =	ssyncadd.s32 $0xFFFFE000  }
0xea: {  	_ =	swait.ge [sflag:s26], $0x1200  }
0xeb: {  	[sflag:s26] =	ssyncset.done $0x0  }
0xec: {  	s21 =	sadd.s32 $0xFFFFCE00, s30;
	[sflag:s26] =	ssyncadd.s32 $0xFFFFEE00  }
0xed: {  	[hbm4b:s21+s23] =	stream.strided.scatter [tilespmem:s1], [sflag:$0x4], $0xC800, s14, s23, $0x38;
	[tilespmem:$0x19640] =	vst v63  }
0xee: {  	_ = 	snop  }
0xef: {  	[tilespmem:s31], [sflag:$0x6] =	stream.linear.gather [hbm4b:s6+s2], $0x320, $0x38;
	[tilespmem:$0x19640] =	vst v63  }
0xf0: {  	_ =	swait.ge [sflag:s28], $0xC800  }
0xf1: {  	[sflag:s28] =	ssyncset.done $0x0  }
0xf2: {  	[sflag:s28] =	ssyncadd.s32 $0xFFFF3800  }
0xf3: {  	_ =	swait.ge [sflag:s0], $0x320  }
0xf4: {  	[sflag:s0] =	ssyncset.done $0x0  }
0xf5: {  	[sflag:s0] =	ssyncadd.s32 $0xFFFFFCE0  }
0xf6: {  	[tilespmem:s1], [sflag:$0x2] =	stream.indirect.gather [hbm4b:s4+s14], $0x40, s31, s14, $0xb8;
	[tilespmem:$0x19640] =	vst v63  }
0xf7: {  	_ = 	snop  }
0xf8: {  	[tilespmem:s12], [sflag:$0x2] =	stream.indirect.gather [hbm4b:s4+s16], $0x40, s11, s16, $0xb8;
	[tilespmem:$0x19640] =	vst v63  }
0xf9: {  	s8 =	simm.s32 $0x3E8;
	s21 =	simm.s32 $0x10040  }
0xfa: {  	[tilespmem:s21], [sflag:$0x2] =	stream.indirect.gather [hbm4b:s4+s14], $0x40, s8, s14, $0xb8;
	[tilespmem:$0x19640] =	vst v63  }
0xfb: {  	s8 =	simm.s32 $0x468;
	s21 =	simm.s32 $0x12040  }
0xfc: {  	[tilespmem:s21], [sflag:$0x2] =	stream.indirect.gather [hbm4b:s4+s16], $0x40, s8, s16, $0xb8;
	[tilespmem:$0x19640] =	vst v63  }
0xfd: {  	s8 =	simm.s32 $0x4B0;
	s21 =	simm.s32 $0x13240  }
0xfe: {  	[tilespmem:s21], [sflag:$0x2] =	stream.indirect.gather [hbm4b:s4+s14], $0x40, s8, s14, $0xb8;
	[tilespmem:$0x19640] =	vst v63  }
0xff: {  	s8 =	simm.s32 $0x530;
	s21 =	simm.s32 $0x15240  }
0x100: {  	[tilespmem:s21], [sflag:$0x2] =	stream.indirect.gather [hbm4b:s4+s16], $0x40, s8, s16, $0xb8;
	[tilespmem:$0x19640] =	vst v63  }
0x101: {  	s8 =	simm.s32 $0x578;
	s21 =	simm.s32 $0x16440  }
0x102: {  	[tilespmem:s21], [sflag:$0x2] =	stream.indirect.gather [hbm4b:s4+s14], $0x40, s8, s14, $0xb8;
	[tilespmem:$0x19640] =	vst v63  }
0x103: {  	_ = 	snop  }
0x104: {  	[tilespmem:s19], [sflag:$0x2] =	stream.indirect.gather [hbm4b:s4+s16], $0x40, s17, s16, $0xb8;
	[tilespmem:$0x19640] =	vst v63  }
0x105: {  	_ =	swait.ge [sflag:s22], $0x2000  }
0x106: {  	[sflag:s22] =	ssyncset.done $0x0  }
0x107: {  	[sflag:s22] =	ssyncadd.s32 $0xFFFFE000  }
0x108: {  	_ =	swait.ge [sflag:s22], $0x1200  }
0x109: {  	[sflag:s22] =	ssyncset.done $0x0  }
0x10a: {  	[sflag:s22] =	ssyncadd.s32 $0xFFFFEE00  }
0x10b: {  	_ =	swait.ge [sflag:s22], $0x2000  }
0x10c: {  	[sflag:s22] =	ssyncset.done $0x0  }
0x10d: {  	[sflag:s22] =	ssyncadd.s32 $0xFFFFE000  }
0x10e: {  	_ =	swait.ge [sflag:s22], $0x1200  }
0x10f: {  	[sflag:s22] =	ssyncset.done $0x0  }
0x110: {  	[sflag:s22] =	ssyncadd.s32 $0xFFFFEE00  }
0x111: {  	_ =	swait.ge [sflag:s22], $0x2000  }
0x112: {  	[sflag:s22] =	ssyncset.done $0x0  }
0x113: {  	[sflag:s22] =	ssyncadd.s32 $0xFFFFE000  }
0x114: {  	_ =	swait.ge [sflag:s22], $0x1200  }
0x115: {  	[sflag:s22] =	ssyncset.done $0x0  }
0x116: {  	[sflag:s22] =	ssyncadd.s32 $0xFFFFEE00  }
0x117: {  	_ =	swait.ge [sflag:s22], $0x2000  }
0x118: {  	[sflag:s22] =	ssyncset.done $0x0  }
0x119: {  	s7 =	smov.u32 s29;
	[sflag:s22] =	ssyncadd.s32 $0xFFFFE000  }
0x11a: {  	p0 =	sne.s32 s29, $0x7E;
	s7 =	smin.u32 s7, $0x7D;
	_ =	swait.ge [sflag:s22], $0x1200  }
.Ltmp0:
0x11b: {  	s7 =	sshll.u32 s7, $0x2;
	s21 =	rddreg [dreg:$0x2];
	(pc) =	sbr.rel @p0 .LBB2_2-.Ltmp0, $4  }
0x11c: {  	[sflag:s22] =	ssyncset.done $0x0;
	s7 =	sadd.s32 s7, s21  }
0x11d: {  	s29 =	sadd.s32 $0x2, s29;
	[sflag:s22] =	ssyncadd.s32 $0xFFFFEE00;
	s7 =	smul.u32 $0x19, s7  }
0x11e: {  	[hbm4b:s30+s23] =	stream.strided.scatter [tilespmem:s15], [sflag:$0x3], $0xC800, s14, s23, $0x38;
	[tilespmem:$0x19640] =	vst v63  }
0x11f: {  	s6 =	sadd.s32 $0xC8, s6;
	s30 =	sadd.s32 $0x6400, s30;
	s7 =	sadd.s32 s3, s7  }
0x120: {  	[tilespmem:s2], [sflag:$0x5] =	stream.linear.gather [hbm4b:s7+s2], $0x320, $0x38;
	[tilespmem:$0x19640] =	vst v63  }
0x121: {  	_ =	swait.ge [sflag:s24], $0xC800  }
0x122: {  	[sflag:s24] =	ssyncset.done $0x0  }
0x123: {  	[sflag:s24] =	ssyncadd.s32 $0xFFFF3800  }
0x124: {  	_ =	swait.ge [sflag:s26], $0x2000  }
0x125: {  	[sflag:s26] =	ssyncset.done $0x0  }
0x126: {  	[sflag:s26] =	ssyncadd.s32 $0xFFFFE000  }
0x127: {  	_ =	swait.ge [sflag:s26], $0x1200  }
0x128: {  	[sflag:s26] =	ssyncset.done $0x0  }
0x129: {  	[sflag:s26] =	ssyncadd.s32 $0xFFFFEE00  }
0x12a: {  	_ =	swait.ge [sflag:s26], $0x2000  }
0x12b: {  	[sflag:s26] =	ssyncset.done $0x0  }
0x12c: {  	[sflag:s26] =	ssyncadd.s32 $0xFFFFE000  }
0x12d: {  	_ =	swait.ge [sflag:s26], $0x1200  }
0x12e: {  	[sflag:s26] =	ssyncset.done $0x0  }
0x12f: {  	[sflag:s26] =	ssyncadd.s32 $0xFFFFEE00  }
0x130: {  	_ =	swait.ge [sflag:s26], $0x2000  }
0x131: {  	[sflag:s26] =	ssyncset.done $0x0  }
0x132: {  	[sflag:s26] =	ssyncadd.s32 $0xFFFFE000  }
0x133: {  	_ =	swait.ge [sflag:s26], $0x1200  }
0x134: {  	[sflag:s26] =	ssyncset.done $0x0  }
0x135: {  	[sflag:s26] =	ssyncadd.s32 $0xFFFFEE00  }
0x136: {  	_ =	swait.ge [sflag:s26], $0x2000  }
0x137: {  	[sflag:s26] =	ssyncset.done $0x0  }
0x138: {  	[sflag:s26] =	ssyncadd.s32 $0xFFFFE000  }
0x139: {  	_ =	swait.ge [sflag:s26], $0x1200  }
0x13a: {  	[sflag:s26] =	ssyncset.done $0x0  }
0x13b: {  	s6 =	rddreg [dreg:$0x7];
	[sflag:s26] =	ssyncadd.s32 $0xFFFFEE00  }
0x13c: {  	[hbm4b:s6+s23] =	stream.strided.scatter [tilespmem:s1], [sflag:$0x4], $0xC800, s14, s23, $0x38;
	[tilespmem:$0x19640] =	vst v63  }
0x13d: {  	_ =	swait.ge [sflag:s25], $0x320  }
0x13e: {  	[sflag:s25] =	ssyncset.done $0x0  }
0x13f: {  	[sflag:s25] =	ssyncadd.s32 $0xFFFFFCE0  }
0x140: {  	_ =	swait.ge [sflag:s28], $0xC800  }
0x141: {  	s7 =	simm.s32 $0x2640;
	s5 =	rddreg [dreg:$0xb]  }
0x142: {  	s8 =	simm.s32 $0xC8;
	s21 =	rddreg [dreg:$0x8];
	s5 =	sadd.s32 $0x1, s5  }
0x143: {  	s9 =	simm.s32 $0x148;
	s10 =	simm.s32 $0x5840;
	p0 =	sne.s32 s5, s21  }
.Ltmp1:
0x144: {  	s11 =	simm.s32 $0x190;
	s12 =	simm.s32 $0x6A40;
	(pc) =	sbr.rel @p0 .LBB2_1-.Ltmp1, $4  }
0x145: {  	s13 =	simm.s32 $0x210;
	s17 =	simm.s32 $0x8A40;
	s18 =	simm.s32 $0x258  }
0x146: {  	s19 =	simm.s32 $0x9C40;
	s20 =	simm.s32 $0x2D8;
	[sflag:s28] =	ssyncset.done $0x0  }
0x147: {  	s29 =	simm.s32 $0x3A0;
	s30 =	simm.s32 $0xEE40;
	[sflag:s28] =	ssyncadd.s32 $0xFFFF3800  }
0x148: {  	[dreg:$0xb] =	wrdreg s5;
	s5 =	simm.s32 $0x3840;
	s21 =	simm.s32 $0xBC40  }
0x149: {  	_ =	sfence.sel $0x180000  }
0x14a: {  	[bflag:$0x0] =	sbarrier.arrive $0xFFFF  }
0x14b: {  	_ =	strace $0x90000047  }
0x14c: {  	s0 =	stileid.u32;
	[bflag:$0x2] =	sbarrier.arrive $0xFFFF  }
0x14d: {  	p0 =	sne.s32 s0, $0x0;
	s0 =	rddreg [dreg:$0x1]  }
0x14e: {  	s0 =	sadd.s32 @!p0 $0x100000, s0  }
0x14f: {  	[sflag:s0] =	ssyncadd.tile.s32 @!p0 $0x1;
	_ =	shalt  }
.Lfunc_end2:
_tile_overlayer_lowered:
.L_overlay_start_2:
0x150: {  	(tag) =	ssettag $0x2  }
0x151: {  	s0 =	rddreg [dreg:$0x0];
	s2 =	stileid.u32  }
0x152: {  	s1 =	rddreg [dreg:$0x1];
	p0 =	sne.s32 s2, $0x0  }
0x153: {  	s3 =	rddreg [dreg:$0x2];
	[bflag:$0x3] =	sbarrier.arrive $0xFFFF;
	s2 =	simm.s32 @!p0 $0x1C07  }
0x154: {  	[timem:s3], [sflag:s2] =	dma.local @!p0 [hbm:s0], s1  }
0x155: {  	s0 =	simm.s32 @!p0 $0x7  }
0x156: {  	_ =	swait.ge @!p0 [sflag:s0], s1  }
0x157: {  	s1 =	ssub.s32 @!p0 $0x0, s1;
	[sflag:s0] =	ssyncset.done @!p0 $0x0  }
0x158: {  	[sflag:s0] =	ssyncadd.s32 @!p0 s1  }
0x159: {  	[bflag:$0x3] =	sbarrier.arrive $0xFFFF  }
0x15a: {  	_ =	shalt  }

// kernel: sparse-core-data-format-call.cloned.1.call-start
scs
called_computation_lowered:
.L_overlay_start_0:
0x0: {  	s2 =	sld [smem:$0x3FD9]  }
0x1: {  	s3 =	sld [smem:$0x3FFE];
	_ =	sdelay $0x1  }
0x2: {  	s1 =	srdreg.scid  }
0x3: {  	s0 =	sand.u32 $0x1, s1  }
0x4: {  	s18 =	sshll.u32 s0, $0xA;
	s2 =	sadd.s32 s3, s2  }
0x5: {  	s2 =	sadd.s32 s2, s18  }
0x6: {  	[smem:$0x3FC6] =	sst s2  }
0x7: {  	_ = 	snop  }
0x8: {  	s2 =	sld [smem:$0x3FD0];
	(tm) =	ssettm $0x1  }
0x9: {  	s19 =	sld [smem:$0x3FFB];
	_ =	sdelay $0x3  }
0xa: {  	_ =	strace s19  }
0xb: {  	s3 =	sld [smem:$0x3FFC];
	_ =	sdelay $0x3  }
0xc: {  	_ =	strace s3  }
0xd: {  	s3 =	sld [smem:$0x3FFD];
	_ =	sdelay $0x3  }
0xe: {  	_ =	strace s3  }
0xf: {  	_ =	strace $0x8FFFFFFF  }
0x10: {  	s20 =	sld [smem:$0x3FDB];
	_ =	sdelay $0x1  }
0x11: {  	s4 =	simm.s32 $_scs_section_size  }
0x12: {  	s5 =	simm.s32 $_size__tile_overlayer_lowered;
	s6 =	simm.s32 $_tile_overlayer_lowered  }
0x13: {  	s23 =	simm.s32 $0x1BFF;
	s22 =	sshll.u32 s6, $0x1;
	s3 =	sadd.s32 s4, s20  }
0x14: {  	s7 =	simm.s32 $0x0;
	s21 =	sshll.u32 s5, $0x1;
	s5 =	sadd.s32 s22, s3  }
0x15: {  	[timem:s7], [sflag:s23] =	dma.local [hbm:s5], s21  }
0x16: {  	_ =	swait.ge [sflag:s23], s21  }
0x17: {  	s4 =	ssub.s32 $0x0, s21;
	[sflag:s23] =	ssyncset.done $0x0  }
0x18: {  	[sflag:s23] =	ssyncadd.s32 s4;
	_ =	sdelay $0x1  }
0x19: {  	s24 =	simm.s32 $0x1B8B  }
0x1a: {  	_ =	swait.ge [sflag:s24], $0x1  }
0x1b: {  	[sflag:s24] =	ssyncset.done $0x0  }
0x1c: {  	s26 =	simm.s32 $0x1B8E;
	s25 =	sld [smem:$0x3FFE];
	[sflag:s24] =	ssyncadd.s32 $0xFFFFFFFF  }
0x1d: {  	s27 =	simm.s32 $execute0_lowered;
	[smem:$0x3FD2] =	sst s26  }
0x1e: {  	s5 =	sshll.u32 s27, $0x1;
	_ =	strace $0x80000049;
	[dreg:$0x1] =	wrdreg $0xFFFFFFFF  }
0x1f: {  	s28 =	simm.s32 $_size_execute0_lowered;
	s3 =	sadd.s32 s3, s5;
	[dreg:$0x0] =	wrdreg $0x0  }
0x20: {  	s5 =	sshll.u32 s28, $0x1;
	[dreg:$0x2] =	wrdreg s3  }
0x21: {  	[dreg:$0x3] =	wrdreg s5  }
0x22: {  	[dreg:$0x4] =	wrdreg $0xC0  }
0x23: {  	_ =	task [dreg:s7], $0x5FFFF  }
0x24: {  	[dreg:$0x1] =	wrdreg $0xFFFFFFFF  }
0x25: {  	[dreg:$0x0] =	wrdreg $0x60  }
0x26: {  	[dreg:$0x2] =	wrdreg s25  }
0x27: {  	[dreg:$0x3] =	wrdreg s2  }
0x28: {  	[dreg:$0x4] =	wrdreg $0x9  }
0x29: {  	_ =	task.clear_ibuf [dreg:s7], $0x5FFFF;
	_ =	strace $0x90000049  }
0x2a: {  	s29 =	simm.s32 $0x9;
	_ =	strace $0x8000004B  }
0x2b: {  	_ =	swait.ge [sflag:s29], $0x1  }
0x2c: {  	[sflag:s29] =	ssyncadd.s32 $0xFFFFFFFF  }
0x2d: {  	_ =	strace $0x9000004B  }
0x2e: {  	_ =	sfence  }
0x2f: {  	s30 =	sld [smem:$0x0];
	_ =	sdelay $0x2  }
0x30: {  	s31 =	sshll.u32 s1, $0xD;
	s1 =	sshrl.u32 s1, $0x2  }
0x31: {  	s3 =	sand.u32 $0x4000, s31;
	s1 =	sadd.s32 s1, s30  }
0x32: {  	s0 =	sor.u32 s3, s0;
	s1 =	sshll.u32 s1, $0x11  }
0x33: {  	s0 =	sor.u32 s1, s0  }
0x34: {  	s0 =	sadd.s32 $0x8F2B, s0  }
0x35: {  	[sflag:s0] =	ssyncadd.remote.s32 $0x1  }
0x36: {  	_ =	sfence.sel $0xFFFF  }
0x37: {  	[dreg:$0x0] =	wrdreg $0xFFFFFFFF;
	(pc) =	sbr.abs _section_cstart, $3  }
0x38: {  	[dreg:$0x1] =	wrdreg $0xFFFFFFFF  }
0x39: {  	_ =	task.clear_ibuf [dreg:s7], $0x2FFFF;
	_ =	strace $0x9FFFFFFF  }
0x3a: {  	(tm) =	ssettm $0x7FFFFFFF  }
0x3b: {  	_ =	shalt  }
tec
execute0_lowered:
.L_overlay_start_1:
0x0: {  	(tag) =	ssettag $0x1  }
0x1: {  	s0 =	srdreg.scid  }
0x2: {  	s1 =	sshll.u32 s0, $0x4  }
0x3: {  	s0 =	stileid.u32;
	s1 =	sand.u32 $0x10, s1  }
0x4: {  	s1 =	sor.u32 s0, s1  }
0x5: {  	s6 =	rddreg [dreg:$0x0];
	s4 =	simm.s32 $0x1;
	s2 =	sshll.u32 s1, $0x7  }
0x6: {  	s7 =	simm.s32 $0x2;
	s12 =	simm.s32 $0x0;
	s1 =	ssub.s32 $0x4000, s2  }
0x7: {  	s8 =	simm.s32 $0x20000;
	s13 =	simm.s32 $0x0;
	s3 =	sand.u32 $0xF80, s1  }
0x8: {  	s9 =	simm.s32 $0x0;
	s5 =	sshrl.u32 s1, $0xC;
	p0 =	sne.s32 s3, $0x0  }
.Ltmp0:
0x9: {  	s1 =	rddreg [dreg:$0x2];
	s4 =	simm.s32 @!p0 $0x0;
	(pc) =	sbr.rel .LBB1_1-.Ltmp0, $4  }
0xa: {  	s11 =	simm.s32 $0x0;
	s3 =	rddreg [dreg:$0x1];
	s5 =	sadd.s32 s4, s5  }
0xb: {  	_ =	strace $0x8000004A;
	s4 =	simm.s32 $0x1;
	s5 =	smul.u32 $0xC8, s5  }
0xc: {  	s6 =	sadd.s32 $0x805A00, s6;
	s10 =	smov.u32 s2;
	[sflag:s4] =	ssyncpa.u1 $0x0  }
0xd: {  	p0 =	por $0x0, $0x0;
	[sflag:s7] =	ssyncpa.u1 $0x0;
	s7 =	sor.u32 $0x1, s5  }
.LBB1_4:
0xe: {  	s16 =	sshll.u32 s13, $0x3;
	s17 =	sand.u32 $0x78, s13  }
0xf: {  	s30 =	sand.u32 $0x1F800, s13;
	s12 =	sshll.u32 s12, $0x11;
	s16 =	sand.u32 $0x3C00, s16  }
0x10: {  	[tilespmem:s15+$0x810 ss:$0x81] =	vst.msk $0xffff, v2;
	s31 =	sand.u32 $0x7, s13;
	s16 =	sor.u32 s17, s16;
	s17 =	sadd.s32 s3, s30  }
0x11: {  	[tilespmem:s15+$0x1020 ss:$0x81] =	vst.msk $0xffff, v0;
	s13 =	sshll.u32 s31, $0x12;
	s12 =	sadd.s32 s12, s17;
	s16 =	sshrl.u32 s16, $0x3  }
0x12: {  	[tilespmem:s15+$0x0 ss:$0x81] =	vst.msk $0xffff, v1;
	s13 =	sor.u32 $0x400, s13;
	s12 =	sadd.s32 s16, s12  }
0x13: {  	[hbm4b:s12+s13] =	stream.strided.scatter [tilespmem:s14], [sflag:$0x2], $0x2000, s8, s13, $0x20;
	[tilespmem:$0x8080] =	vst v63  }
.LBB1_5:
0x14: {  	s14 =	sadd.s32 $0x1, s9  }
0x15: {  	s12 =	sadd.s32 $0x1000, s10;
	s16 =	smov.u32 s10;
	p2 =	sgt.s32 s14, $0xC7  }
0x16: {  	s16 =	smov.u32 @p2 s12  }
0x17: {  	s14 =	simm.s32 @p2 $0x0;
	p2 =	sgt.s32 s16, $0x3FFF  }
0x18: {  	s16 =	smov.u32 @p2 s2;
	p2 =	sne.s32 s11, s7  }
.Ltmp1:
0x19: {  	p1 =	slt.u32 s11, $0x2;
	(pc) =	sbr.rel @!p2 .LBB1_6-.Ltmp1, $4  }
0x1a: {  	s15 =	simm.s32 @!p1 $0x2  }
0x1b: {  	s13 =	smov.u32 s10;
	p0 =	por !p0, !p0;
	_ =	swait.ge @!p1 [sflag:s15], $0x2000  }
0x1c: {  	s12 =	smov.u32 s9;
	[sflag:s15] =	ssyncset.done @!p1 $0x0;
	s9 =	smov.u32 s14  }
0x1d: {  	s11 =	sadd.s32 $0x1, s11;
	[sflag:s15] =	ssyncadd.s32 @!p1 $0xFFFFE000;
	s10 =	smov.u32 s16  }
.LBB1_1:
0x1e: {  	p1 =	sge.u32 s11, s5  }
0x1f: {  	s14 =	sand.u32 @!p1 $0x1FFFFFF, s9  }
0x20: {  	s15 =	smulhi.u32 @!p1 $0x147AE15, s14;
	_ =	sdelay $0x1  }
0x21: {  	s15 =	smul.u32 @!p1 $0xC8, s15  }
0x22: {  	s16 =	sxor.u32 @!p1 $0xFFFFFFFF, s11;
	s17 =	smul.u32 @!p1 $0xC80, s10  }
0x23: {  	s31 =	sadd.s32 $0xFFFFFFFF, s11;
	s16 =	sshll.u32 @!p1 s16, $0xD;
	s14 =	ssub.s32 @!p1 s14, s15  }
0x24: {  	s15 =	sand.u32 @!p1 $0x2000, s16;
	s16 =	sadd.s32 @!p1 s6, s17;
	s14 =	sshll.u32 @!p1 s14, $0x4  }
0x25: {  	s17 =	simm.s32 @!p1 $0x6400;
	s14 =	sadd.s32 @!p1 s14, s16;
	s16 =	simm.s32 @!p1 $0x40  }
0x26: {  	[tilespmem:s15], [sflag:$0x1] =	stream.strided.gather @!p1 [hbm4b:s14+s16], $0x2000, s17, s16, $0x38;
	[tilespmem:$0x8080] =	vst v63  }
0x27: {  	p1 =	sge.u32 s31, s5  }
.Ltmp2:
0x28: {  	_ = 	snop;
	(pc) =	sbr.rel @p1 .LBB1_5-.Ltmp2, $1  }
0x29: {  	_ =	sdelay $0x3  }
0x2a: {  	s14 =	simm.s32 $0x1  }
0x2b: {  	_ =	swait.ge [sflag:s4], $0x2000;
	s14 =	simm.s32 @!p0 $0x0  }
0x2c: {  	[sflag:s4] =	ssyncset.done $0x0;
	s15 =	sshll.u32 s14, $0xD  }
0x2d: {  	[sflag:s4] =	ssyncadd.s32 $0xFFFFE000;
	s18 =	sor.u32 $0x20, s15  }
0x2e: {  	s14 =	smul.u32 $0x8100, s14;
	v3 =	vld [tilespmem:s18+$0x10]  }
0x2f: {  	s30 =	sand.u32 $0x1, s11;
	v2 =	vld [tilespmem:s18+$0xFFFFFFF0]  }
0x30: {  	s15 =	smul.u32 $0x8100, s30;
	s14 =	sshrl.u32 s14, $0x2;
	v0 =	vld [tilespmem:s18+$0x0]  }
0x31: {  	v1 =	vld [tilespmem:s18+$0xFFFFFFE0];
	s16 =	sor.u32 $0x4000, s14  }
0x32: {  	s31 =	sshrl.u32 s15, $0x2;
	s15 =	sadd.s32 $0x0, s16  }
0x33: {  	s17 =	simm.s32 $0x4;
	s18 =	sadd.s32 $0x40, s18;
	s14 =	sor.u32 $0x4000, s31;
	[tilespmem:s15+$0x1830 ss:$0x81] =	vst.msk $0xffff, v3  }
.LBB1_3:
0x34: {  	v3 =	vld [tilespmem:s18+$0x10];
	p1 =	sne.s32 s17, $0x1FC;
	[tilespmem:s15+$0x810 ss:$0x81] =	vst.msk $0xffff, v2;
	s19 =	smov.u32 s17;
	s17 =	sadd.s32 $0x4, s17  }
.Ltmp3:
0x35: {  	v2 =	vld [tilespmem:s18+$0xFFFFFFF0];
	[tilespmem:s15+$0x1020 ss:$0x81] =	vst.msk $0xffff, v0;
	(pc) =	sbr.rel @p1 .LBB1_3-.Ltmp3, $4  }
0x36: {  	v0 =	vld [tilespmem:s18+$0x0];
	[tilespmem:s15+$0x0 ss:$0x81] =	vst.msk $0xffff, v1  }
0x37: {  	s15 =	sshra.s32 s19, $0x2;
	v1 =	vld [tilespmem:s18+$0xFFFFFFE0]  }
0x38: {  	s15 =	sadd.s32 s15, s16  }
0x39: {  	s18 =	sadd.s32 $0x40, s18;
	[tilespmem:s15+$0x1830 ss:$0x81] =	vst.msk $0xffff, v3  }
.Ltmp4:
0x3a: {  	_ = 	snop;
	(pc) =	sbr.rel .LBB1_4-.Ltmp4, $1  }
0x3b: {  	_ =	sdelay $0x3  }
.LBB1_6:
0x3c: {  	_ =	sfence.sel $0x180000  }
0x3d: {  	s2 =	simm.s32 $0x1;
	[bflag:$0x0] =	sbarrier.arrive $0xFFFF  }
0x3e: {  	s31 =	simm.s32 $0x2;
	[sflag:s2] =	ssyncpa.u1 $0x1  }
0x3f: {  	[sflag:s31] =	ssyncpa.u1 $0x1  }
0x40: {  	p0 =	sne.s32 s0, $0x0;
	_ =	strace $0x9000004A  }
0x41: {  	s0 =	sadd.s32 @!p0 $0x100000, s1;
	[bflag:$0x2] =	sbarrier.arrive $0xFFFF  }
0x42: {  	[sflag:s0] =	ssyncadd.tile.s32 @!p0 $0x1;
	_ =	shalt  }
.Lfunc_end1:
_tile_overlayer_lowered:
.L_overlay_start_2:
0x43: {  	(tag) =	ssettag $0x2  }
0x44: {  	s0 =	rddreg [dreg:$0x0];
	s2 =	stileid.u32  }
0x45: {  	s1 =	rddreg [dreg:$0x1];
	p0 =	sne.s32 s2, $0x0  }
0x46: {  	s3 =	rddreg [dreg:$0x2];
	[bflag:$0x3] =	sbarrier.arrive $0xFFFF;
	s2 =	simm.s32 @!p0 $0x1C01  }
0x47: {  	[timem:s3], [sflag:s2] =	dma.local @!p0 [hbm:s0], s1  }
0x48: {  	s0 =	simm.s32 @!p0 $0x1  }
0x49: {  	_ =	swait.ge @!p0 [sflag:s0], s1  }
0x4a: {  	s1 =	ssub.s32 @!p0 $0x0, s1;
	[sflag:s0] =	ssyncset.done @!p0 $0x0  }
0x4b: {  	[sflag:s0] =	ssyncadd.s32 @!p0 s1  }
0x4c: {  	[bflag:$0x3] =	sbarrier.arrive $0xFFFF  }
0x4d: {  	_ =	shalt  }

</sc_bundles>
